<compile_context>
chip_gen: v7x
topology: tpu7x:2x2x1
jax: 0.10.2.dev20260603
libtpu: 0.0.44.dev20260713+nightly
codegen_flags: <defaults>
</compile_context>

<pallas_src>
import functools

import jax
import jax.numpy as jnp
from jax import lax
from jax.experimental import pallas as pl
from jax.experimental.pallas import tpu as pltpu
from jax.experimental.pallas import tpu_sc as plsc

N = 10000
E = 160000
C = 256
CH = C // 2
K = 128
NCHUNK = 1344
NREAL = E // K
NEXTRA = NCHUNK - NREAL
EPAD = NCHUNK * K - E - N
NSUB = 16
NCORE = 2
CPT = NCHUNK // NSUB
CPW = NCHUNK // (NSUB * NCORE)
NACC = N + 512
NBUF = 2
ROWS_BIG, ROWS_SMALL = 632, 624

_mesh = lambda: plsc.VectorSubcoreMesh(core_axis_name="c", subcore_axis_name="s")


def _row_base(s):
    return ROWS_SMALL * s + 8 * jnp.minimum(s, 2)


@functools.partial(
    pl.kernel,
    out_type=jax.ShapeDtypeStruct((NCORE, 1, NACC), jnp.float32),
    mesh=_mesh(),
    scratch_types=[
        pltpu.VMEM((CPW, 1, K), jnp.int32),
        pltpu.VMEM((CPW, 1, K), jnp.int32),
        pltpu.VMEM((K,), jnp.float32),
        pltpu.VMEM((2000,), jnp.float32),
        pltpu.VMEM_SHARED((NACC,), jnp.float32),
        pltpu.SemaphoreType.DMA,
        pltpu.SemaphoreType.DMA,
    ],
)
def _deg_kernel(ed_hbm, ex_hbm, out_hbm, ed_slab, dst_slab, ones_v, zbuf, acc,
                semd, semz):
    c = lax.axis_index("c")
    s = lax.axis_index("s")
    w = s * NCORE + c

    base = w * CPW
    BW = NREAL // CPW
    RREM = NREAL - BW * CPW
    @pl.when(w < BW)
    def _():
        pltpu.sync_copy(ed_hbm.at[pl.ds(base, CPW)], ed_slab)
    @pl.when(w == BW)
    def _():
        pltpu.sync_copy(ed_hbm.at[pl.ds(BW * CPW, RREM)],
                        ed_slab.at[pl.ds(0, RREM)])
        pltpu.sync_copy(ex_hbm.at[pl.ds(0, CPW - RREM)],
                        ed_slab.at[pl.ds(RREM, CPW - RREM)])
    @pl.when(w > BW)
    def _():
        pltpu.sync_copy(ex_hbm.at[pl.ds(base - NREAL, CPW)], ed_slab)
    def unpack(i, _):
        sl = pl.ds((i % 8) * 16, 16)
        dst_slab[i // 8, 0, sl] = lax.shift_right_logical(ed_slab[i // 8, 0, sl], 14)
        return 0
    lax.fori_loop(0, CPW * (K // 16), unpack, 0)

    def fill_ones(i, _):
        ones_v[pl.ds(i * 16, 16)] = jnp.ones((16,), jnp.float32)
        return 0
    lax.fori_loop(0, K // 16, fill_ones, 0)
    def fill_z(i, _):
        zbuf[pl.ds(i * 16, 16)] = jnp.zeros((16,), jnp.float32)
        return 0
    lax.fori_loop(0, 125, fill_z, 0)
    @pl.when(s == 0)
    def _():
        def zfire(j, _):
            pltpu.async_copy(zbuf, acc.at[pl.ds(j * 2000, 2000)], semz)
            return 0
        lax.fori_loop(0, N // 2000, zfire, 0)
        def zdrain(j, _):
            pltpu.make_async_copy(zbuf, acc.at[pl.ds(0, 2000)], semz).wait()
            return 0
        lax.fori_loop(0, N // 2000, zdrain, 0)
    plsc.subcore_barrier()

    nch = CPW
    def fire(j, _):
        pltpu.async_copy(ones_v, acc.at[dst_slab.at[j, 0]], semd, add=True)
        return 0
    lax.fori_loop(0, nch, fire, 0)
    def drain(j, _):
        pltpu.make_async_copy(ones_v, acc.at[dst_slab.at[0, 0]], semd).wait()
        return 0
    lax.fori_loop(0, nch, drain, 0)
    plsc.subcore_barrier()

    @pl.when(s == 0)
    def _():
        pltpu.sync_copy(acc, out_hbm.at[c, 0])


@functools.partial(
    pl.kernel,
    out_type=jax.ShapeDtypeStruct((NCORE, N, CH), jnp.float32),
    mesh=_mesh(),
    scratch_types=[
        pltpu.VMEM((CPT, 1, K), jnp.int32),
        pltpu.VMEM((NBUF, 1, K), jnp.int32),
        pltpu.VMEM((NBUF, 1, K), jnp.int32),
        pltpu.VMEM((K, CH), jnp.float32),
        pltpu.VMEM((K, CH), jnp.float32),
        pltpu.VMEM((8, CH), jnp.float32),
        pltpu.VMEM_SHARED((NACC, CH), jnp.float32),
        pltpu.SemaphoreType.DMA,
        pltpu.SemaphoreType.DMA,
        pltpu.SemaphoreType.DMA,
        pltpu.SemaphoreType.DMA,
        pltpu.SemaphoreType.DMA,
    ],
)
def _agg_kernel(xs_hbm, ed_hbm, ex_hbm, out_hbm,
                ed_slab, src_v, dst_v, r0, r1, zbuf, acc,
                g0, g1, s0, s1, semz):
    rows = [r0, r1]
    semg = [g0, g1]
    sems = [s0, s1]
    c = lax.axis_index("c")
    s = lax.axis_index("s")

    base = s * CPT
    BT = NREAL // CPT
    TREM = NREAL - BT * CPT
    @pl.when(s < BT)
    def _():
        pltpu.sync_copy(ed_hbm.at[pl.ds(base, CPT)], ed_slab)
    @pl.when(s == BT)
    def _():
        pltpu.sync_copy(ed_hbm.at[pl.ds(BT * CPT, TREM)],
                        ed_slab.at[pl.ds(0, TREM)])
        pltpu.sync_copy(ex_hbm.at[pl.ds(0, CPT - TREM)],
                        ed_slab.at[pl.ds(TREM, CPT - TREM)])
    @pl.when(s > BT)
    def _():
        pltpu.sync_copy(ex_hbm.at[pl.ds(base - NREAL, CPT)], ed_slab)

    off = c * N
    def unpack(j, b):
        def go(i, _):
            sl = pl.ds(i * 16, 16)
            ed = ed_slab[j, 0, sl]
            src_v[b, 0, sl] = (ed & 0x3FFF) + off
            dst_v[b, 0, sl] = lax.shift_right_logical(ed, 14)
            return 0
        lax.fori_loop(0, K // 16, go, 0)

    def fill_z(i, _):
        zbuf[i // 8, pl.ds((i % 8) * 16, 16)] = jnp.zeros((16,), jnp.float32)
        return 0
    lax.fori_loop(0, 8 * (CH // 16), fill_z, 0)
    rbase = _row_base(s)
    nz = jnp.where(s < 2, ROWS_BIG // 8, ROWS_SMALL // 8)
    def zfire(j, _):
        pltpu.async_copy(zbuf, acc.at[pl.ds(rbase + j * 8, 8)], semz)
        return 0
    lax.fori_loop(0, nz, zfire, 0)
    def zdrain(j, _):
        pltpu.make_async_copy(zbuf, acc.at[pl.ds(rbase, 8)], semz).wait()
        return 0
    lax.fori_loop(0, nz, zdrain, 0)
    plsc.subcore_barrier()

    def gfire(j, b):
        pltpu.async_copy(xs_hbm.at[src_v.at[b, 0]], rows[b], semg[b])
    def gwait(b):
        pltpu.make_async_copy(xs_hbm.at[src_v.at[b, 0]], rows[b], semg[b]).wait()
    def sfire(b):
        pltpu.async_copy(rows[b], acc.at[dst_v.at[b, 0]], sems[b], add=True)
    def swait(b):
        pltpu.make_async_copy(rows[b], acc.at[dst_v.at[b, 0]], sems[b]).wait()

    unpack(0, 0)
    gfire(0, 0)
    unpack(1, 1)
    gfire(1, 1)
    gwait(0)
    sfire(0)
    def steady(g, _):
        for b in range(NBUF):
            j = g * NBUF + b
            swait(b)
            unpack(j, b)
            gfire(j, b)
            gwait(1 - b)
            sfire(1 - b)
        return 0
    lax.fori_loop(1, CPT // NBUF, steady, 0)
    gwait(1)
    sfire(1)
    swait(0)
    swait(1)
    plsc.subcore_barrier()

    rbig = pl.ds(rbase, ROWS_BIG)
    rsml = pl.ds(rbase, ROWS_SMALL)
    @pl.when(s < 2)
    def _():
        pltpu.sync_copy(acc.at[rbig], out_hbm.at[c, rbig])
    @pl.when(s >= 2)
    def _():
        pltpu.sync_copy(acc.at[rsml], out_hbm.at[c, rsml])


_TC_ROWS = 1000


def _trans_body(degp_ref, dis_ref):
    ident = jnp.eye(_TC_ROWS, dtype=jnp.float32)
    for chunk in range(N // _TC_ROWS):
        seg = (degp_ref[0, :, pl.ds(chunk * _TC_ROWS, _TC_ROWS)]
               + degp_ref[1, :, pl.ds(chunk * _TC_ROWS, _TC_ROWS)])
        col = lax.dot_general(ident, lax.rsqrt(seg),
                              (((1,), (1,)), ((), ())),
                              preferred_element_type=jnp.float32)
        dis_ref[pl.ds(chunk * _TC_ROWS, _TC_ROWS), :] = col


def _trans(degp):
    return pl.pallas_call(
        _trans_body,
        out_shape=jax.ShapeDtypeStruct((N, 1), jnp.float32),
    )(degp)


def _scale_body(dis_ref, x_ref, xs_ref):
    xs = x_ref[...] * dis_ref[...]
    xs_ref[0] = xs[:, :CH]
    xs_ref[1] = xs[:, CH:]


_SROWS = 2000


def _scale(dis, x):
    grid = N // _SROWS
    return pl.pallas_call(
        _scale_body,
        grid=(grid,),
        in_specs=[
            pl.BlockSpec((_SROWS, 1), lambda i: (i, 0)),
            pl.BlockSpec((_SROWS, C), lambda i: (i, 0)),
        ],
        out_specs=pl.BlockSpec((NCORE, _SROWS, CH), lambda i: (0, i, 0)),
        out_shape=jax.ShapeDtypeStruct((NCORE, N, CH), jnp.float32),
    )(dis, x)


def _final_body(dis_ref, zp_ref, wmu_ref, wls_ref, bmu_ref, bls_ref,
                mu_ref, ls_ref):
    dis = dis_ref[...]
    z = jnp.concatenate([dis * zp_ref[0], dis * zp_ref[1]],
                        axis=1).astype(jnp.bfloat16)
    mu_ref[...] = jnp.dot(z, wmu_ref[...].astype(jnp.bfloat16),
                          preferred_element_type=jnp.float32) + bmu_ref[...]
    ls_ref[...] = jnp.dot(z, wls_ref[...].astype(jnp.bfloat16),
                          preferred_element_type=jnp.float32) + bls_ref[...]


def _final(dis, zp, wmu, wls, bmu, bls):
    grid = N // _SROWS
    return pl.pallas_call(
        _final_body,
        grid=(grid,),
        in_specs=[
            pl.BlockSpec((_SROWS, 1), lambda i: (i, 0)),
            pl.BlockSpec((NCORE, _SROWS, CH), lambda i: (0, i, 0)),
            pl.BlockSpec((C, C), lambda i: (0, 0)),
            pl.BlockSpec((C, C), lambda i: (0, 0)),
            pl.BlockSpec((1, C), lambda i: (0, 0)),
            pl.BlockSpec((1, C), lambda i: (0, 0)),
        ],
        out_specs=[
            pl.BlockSpec((_SROWS, C), lambda i: (i, 0)),
            pl.BlockSpec((_SROWS, C), lambda i: (i, 0)),
        ],
        out_shape=[
            jax.ShapeDtypeStruct((N, C), jnp.float32),
            jax.ShapeDtypeStruct((N, C), jnp.float32),
        ],
    )(dis, zp, wmu, wls, bmu, bls)


def kernel(x, edge_index, W_mu, b_mu, W_logstd, b_logstd):
    src = edge_index[0].astype(jnp.int32)
    dst = edge_index[1].astype(jnp.int32)
    ed = (src | (dst << 14)).reshape(NREAL, 1, K)
    iota = jnp.arange(N, dtype=jnp.int32)
    ipad = jnp.arange(EPAD, dtype=jnp.int32)
    ex = jnp.concatenate([
        iota | (iota << 14),
        (ipad & 0x1FFF) | ((N + (ipad & 511)) << 14),
    ]).reshape(NEXTRA, 1, K)

    degp = _deg_kernel(ed, ex)
    dis = _trans(degp)
    xs2 = _scale(dis, x)
    zp = _agg_kernel(xs2.reshape(2 * N, CH), ed, ex)
    mu, ls = _final(dis, zp, W_mu, W_logstd,
                    b_mu.reshape(1, C), b_logstd.reshape(1, C))
    return mu, ls

# --- scband reference (transcript-rebuilt; emitter-appended) ---
"""Pipeline reference for scband-variational-linear-encoder-5377299055297 (READ-ONLY COPY).

The authoritative reference and input builder live on the scoring server;
editing this copy changes nothing except your own understanding.
"""

import jax, jax.numpy as jnp
import numpy as np

N_NODES = 10000
N_EDGES = 160000
IN_CH = 256
OUT_CH = 256


def _gcn_conv(x, edge_index, W, b, n_nodes):
    # PyG GCNConv: h = x @ W; add self loops; symmetric normalization; scatter-add; + bias
    src = edge_index[0]
    dst = edge_index[1]
    loop = jnp.arange(n_nodes, dtype=edge_index.dtype)
    src = jnp.concatenate([src, loop])
    dst = jnp.concatenate([dst, loop])
    deg = jnp.zeros((n_nodes,), dtype=x.dtype).at[dst].add(1.0)
    deg_inv_sqrt = jnp.where(deg > 0, jax.lax.rsqrt(jnp.maximum(deg, 1e-12)), 0.0)
    norm = deg_inv_sqrt[src] * deg_inv_sqrt[dst]
    h = x @ W
    msg = h[src] * norm[:, None]
    out = jax.ops.segment_sum(msg, dst, num_segments=n_nodes)
    return out + b


def setup_inputs(seed: int = 0) -> dict:
    key = jax.random.key(seed)
    k1, k2, k3, k4, k5 = jax.random.split(key, 5)
    x = jax.random.normal(k1, (N_NODES, IN_CH), dtype=jnp.float32)
    edge_index = jax.random.randint(k2, (2, N_EDGES), 0, N_NODES, dtype=jnp.int64)
    glorot = float(np.sqrt(6.0 / (IN_CH + OUT_CH)))
    W_mu = jax.random.uniform(k3, (IN_CH, OUT_CH), dtype=jnp.float32, minval=-glorot, maxval=glorot)
    W_logstd = jax.random.uniform(k4, (IN_CH, OUT_CH), dtype=jnp.float32, minval=-glorot, maxval=glorot)
    b_mu = jnp.zeros((OUT_CH,), dtype=jnp.float32)
    b_logstd = jnp.zeros((OUT_CH,), dtype=jnp.float32)
    return {"x": x, "edge_index": edge_index, "W_mu": W_mu, "b_mu": b_mu, "W_logstd": W_logstd, "b_logstd": b_logstd}


def reference(x, edge_index, W_mu, b_mu, W_logstd, b_logstd):
    mu = _gcn_conv(x, edge_index, W_mu, b_mu, N_NODES)
    logstd = _gcn_conv(x, edge_index, W_logstd, b_logstd, N_NODES)
    return (mu, logstd)

if __name__ == "__main__":
    import jax
    _d = setup_inputs()
    print(jax.jit(kernel)(*tuple(_d.values())))

</pallas_src>

<mosaic_0001>
#map = affine_map<(d0, d1) -> (0, 0, 0)>
module attributes {stable_mosaic.version = 14 : i64} {
  func.func @_deg_kernel(%arg0: i32, %arg1: i32, %arg2: memref<1250x1x128xi32, #tpu.memory_space<hbm>>, %arg3: memref<94x1x128xi32, #tpu.memory_space<hbm>>, %arg4: memref<2x1x10512xf32, #tpu.memory_space<hbm>>, %arg5: memref<42x1x128xi32, #tpu.memory_space<vmem>>, %arg6: memref<42x1x128xi32, #tpu.memory_space<vmem>>, %arg7: memref<128xf32, #tpu.memory_space<vmem>>, %arg8: memref<2000xf32, #tpu.memory_space<vmem>>, %arg9: memref<10512xf32, #tpu.memory_space<vmem_shared>>, %arg10: memref<!tpu.dma_semaphore, #tpu.memory_space<semaphore_mem>>, %arg11: memref<!tpu.dma_semaphore, #tpu.memory_space<semaphore_mem>>) attributes {dimension_semantics = [#tpu.dimension_semantics<core_parallel>, #tpu.dimension_semantics<subcore_parallel>], iteration_bounds = array<i64: 2, 16>, scalar_prefetch = 0 : i64, scratch_operands = 7 : i64, tpu.core_type = #tpu.core_type<sc_vector_subcore>, window_params = [{transform_indices = #map}, {transform_indices = #map}, {transform_indices = #map}]} {
    %mul3A = arith.constant 2 : i32
    %mul3A_0 = arith.muli %arg1, %mul3A : i32
    %add3A = arith.addi %mul3A_0, %arg0 : i32
    %mul3A_1 = arith.constant 42 : i32
    %mul3A_2 = arith.muli %add3A, %mul3A_1 : i32
    %lt3A = arith.constant 29 : i32
    %lt3A_3 = arith.cmpi slt, %add3A, %lt3A : i32
    %convert_element_type3A = arith.extui %lt3A_3 : i1 to i32
    %cond3A = arith.constant 0 : i32
    %cond3A_4 = arith.cmpi ne, %convert_element_type3A, %cond3A : i32
    scf.if %cond3A_4 {
      "tpu.region"() ({
        %run_scoped3A = tpu.sem_alloc : memref<!tpu.dma_semaphore, #tpu.memory_space<semaphore_mem>>
        %dma_start3A = arith.constant 0 : i32
        %dma_start3A_58 = arith.constant 0 : i32
        %dma_start3A_59 = tpu.memref_slice %arg2[%mul3A_2, %dma_start3A, %dma_start3A_58] : memref<1250x1x128xi32, #tpu.memory_space<hbm>> -> memref<42x1x128xi32, #tpu.memory_space<hbm>>
        %dma_start3A_60 = arith.constant 0 : i32
        %dma_start3A_61 = arith.constant 0 : i32
        %dma_start3A_62 = tpu.memref_slice %arg2[%mul3A_2, %dma_start3A_60, %dma_start3A_61] : memref<1250x1x128xi32, #tpu.memory_space<hbm>> -> memref<42x1x128xi32, #tpu.memory_space<hbm>>
        tpu.enqueue_dma source(%dma_start3A_62 : memref<42x1x128xi32, #tpu.memory_space<hbm>>) target(%arg5 : memref<42x1x128xi32, #tpu.memory_space<vmem>>) target_semaphore(%run_scoped3A : memref<!tpu.dma_semaphore, #tpu.memory_space<semaphore_mem>>)
        %dma_wait3A = arith.constant 0 : i32
        %dma_wait3A_63 = arith.constant 0 : i32
        %dma_wait3A_64 = tpu.memref_slice %arg2[%mul3A_2, %dma_wait3A, %dma_wait3A_63] : memref<1250x1x128xi32, #tpu.memory_space<hbm>> -> memref<42x1x128xi32, #tpu.memory_space<hbm>>
        %dma_wait3A_65 = arith.constant 0 : i32
        %dma_wait3A_66 = arith.constant 0 : i32
        %dma_wait3A_67 = tpu.memref_slice %arg2[%mul3A_2, %dma_wait3A_65, %dma_wait3A_66] : memref<1250x1x128xi32, #tpu.memory_space<hbm>> -> memref<42x1x128xi32, #tpu.memory_space<hbm>>
        tpu.wait_dma2 semaphore(%run_scoped3A : memref<!tpu.dma_semaphore, #tpu.memory_space<semaphore_mem>>) src(%dma_wait3A_67 : memref<42x1x128xi32, #tpu.memory_space<hbm>>) dst(%arg5 : memref<42x1x128xi32, #tpu.memory_space<vmem>>)
        tpu.yield
      }) : () -> ()
    } else {
    }
    %eq3A = arith.constant 29 : i32
    %eq3A_5 = arith.cmpi eq, %add3A, %eq3A : i32
    %convert_element_type3A_6 = arith.extui %eq3A_5 : i1 to i32
    %cond3A_7 = arith.constant 0 : i32
    %cond3A_8 = arith.cmpi ne, %convert_element_type3A_6, %cond3A_7 : i32
    scf.if %cond3A_8 {
      "tpu.region"() ({
        %run_scoped3A = tpu.sem_alloc : memref<!tpu.dma_semaphore, #tpu.memory_space<semaphore_mem>>
        %dma_start3A = arith.constant 0 : i32
        %dma_start3A_58 = arith.constant 0 : i32
        %dma_start3A_59 = arith.constant 0 : i32
        %dma_start3A_60 = tpu.memref_slice %arg5[%dma_start3A, %dma_start3A_58, %dma_start3A_59] : memref<42x1x128xi32, #tpu.memory_space<vmem>> -> memref<32x1x128xi32, #tpu.memory_space<vmem>>
        %dma_start3A_61 = arith.constant 1218 : i32
        %dma_start3A_62 = arith.constant 0 : i32
        %dma_start3A_63 = arith.constant 0 : i32
        %dma_start3A_64 = tpu.memref_slice %arg2[%dma_start3A_61, %dma_start3A_62, %dma_start3A_63] : memref<1250x1x128xi32, #tpu.memory_space<hbm>> -> memref<32x1x128xi32, #tpu.memory_space<hbm>>
        %dma_start3A_65 = arith.constant 0 : i32
        %dma_start3A_66 = arith.constant 0 : i32
        %dma_start3A_67 = arith.constant 0 : i32
        %dma_start3A_68 = tpu.memref_slice %arg5[%dma_start3A_65, %dma_start3A_66, %dma_start3A_67] : memref<42x1x128xi32, #tpu.memory_space<vmem>> -> memref<32x1x128xi32, #tpu.memory_space<vmem>>
        %dma_start3A_69 = arith.constant 1218 : i32
        %dma_start3A_70 = arith.constant 0 : i32
        %dma_start3A_71 = arith.constant 0 : i32
        %dma_start3A_72 = tpu.memref_slice %arg2[%dma_start3A_69, %dma_start3A_70, %dma_start3A_71] : memref<1250x1x128xi32, #tpu.memory_space<hbm>> -> memref<32x1x128xi32, #tpu.memory_space<hbm>>
        tpu.enqueue_dma source(%dma_start3A_72 : memref<32x1x128xi32, #tpu.memory_space<hbm>>) target(%dma_start3A_68 : memref<32x1x128xi32, #tpu.memory_space<vmem>>) target_semaphore(%run_scoped3A : memref<!tpu.dma_semaphore, #tpu.memory_space<semaphore_mem>>)
        %dma_wait3A = arith.constant 0 : i32
        %dma_wait3A_73 = arith.constant 0 : i32
        %dma_wait3A_74 = arith.constant 0 : i32
        %dma_wait3A_75 = tpu.memref_slice %arg5[%dma_wait3A, %dma_wait3A_73, %dma_wait3A_74] : memref<42x1x128xi32, #tpu.memory_space<vmem>> -> memref<32x1x128xi32, #tpu.memory_space<vmem>>
        %dma_wait3A_76 = arith.constant 1218 : i32
        %dma_wait3A_77 = arith.constant 0 : i32
        %dma_wait3A_78 = arith.constant 0 : i32
        %dma_wait3A_79 = tpu.memref_slice %arg2[%dma_wait3A_76, %dma_wait3A_77, %dma_wait3A_78] : memref<1250x1x128xi32, #tpu.memory_space<hbm>> -> memref<32x1x128xi32, #tpu.memory_space<hbm>>
        %dma_wait3A_80 = arith.constant 0 : i32
        %dma_wait3A_81 = arith.constant 0 : i32
        %dma_wait3A_82 = arith.constant 0 : i32
        %dma_wait3A_83 = tpu.memref_slice %arg5[%dma_wait3A_80, %dma_wait3A_81, %dma_wait3A_82] : memref<42x1x128xi32, #tpu.memory_space<vmem>> -> memref<32x1x128xi32, #tpu.memory_space<vmem>>
        %dma_wait3A_84 = arith.constant 1218 : i32
        %dma_wait3A_85 = arith.constant 0 : i32
        %dma_wait3A_86 = arith.constant 0 : i32
        %dma_wait3A_87 = tpu.memref_slice %arg2[%dma_wait3A_84, %dma_wait3A_85, %dma_wait3A_86] : memref<1250x1x128xi32, #tpu.memory_space<hbm>> -> memref<32x1x128xi32, #tpu.memory_space<hbm>>
        tpu.wait_dma2 semaphore(%run_scoped3A : memref<!tpu.dma_semaphore, #tpu.memory_space<semaphore_mem>>) src(%dma_wait3A_87 : memref<32x1x128xi32, #tpu.memory_space<hbm>>) dst(%dma_wait3A_83 : memref<32x1x128xi32, #tpu.memory_space<vmem>>)
        tpu.yield
      }) : () -> ()
      "tpu.region"() ({
        %run_scoped3A = tpu.sem_alloc : memref<!tpu.dma_semaphore, #tpu.memory_space<semaphore_mem>>
        %dma_start3A = arith.constant 32 : i32
        %dma_start3A_58 = arith.constant 0 : i32
        %dma_start3A_59 = arith.constant 0 : i32
        %dma_start3A_60 = tpu.memref_slice %arg5[%dma_start3A, %dma_start3A_58, %dma_start3A_59] : memref<42x1x128xi32, #tpu.memory_space<vmem>> -> memref<10x1x128xi32, #tpu.memory_space<vmem>>
        %dma_start3A_61 = arith.constant 0 : i32
        %dma_start3A_62 = arith.constant 0 : i32
        %dma_start3A_63 = arith.constant 0 : i32
        %dma_start3A_64 = tpu.memref_slice %arg3[%dma_start3A_61, %dma_start3A_62, %dma_start3A_63] : memref<94x1x128xi32, #tpu.memory_space<hbm>> -> memref<10x1x128xi32, #tpu.memory_space<hbm>>
        %dma_start3A_65 = arith.constant 32 : i32
        %dma_start3A_66 = arith.constant 0 : i32
        %dma_start3A_67 = arith.constant 0 : i32
        %dma_start3A_68 = tpu.memref_slice %arg5[%dma_start3A_65, %dma_start3A_66, %dma_start3A_67] : memref<42x1x128xi32, #tpu.memory_space<vmem>> -> memref<10x1x128xi32, #tpu.memory_space<vmem>>
        %dma_start3A_69 = arith.constant 0 : i32
        %dma_start3A_70 = arith.constant 0 : i32
        %dma_start3A_71 = arith.constant 0 : i32
        %dma_start3A_72 = tpu.memref_slice %arg3[%dma_start3A_69, %dma_start3A_70, %dma_start3A_71] : memref<94x1x128xi32, #tpu.memory_space<hbm>> -> memref<10x1x128xi32, #tpu.memory_space<hbm>>
        tpu.enqueue_dma source(%dma_start3A_72 : memref<10x1x128xi32, #tpu.memory_space<hbm>>) target(%dma_start3A_68 : memref<10x1x128xi32, #tpu.memory_space<vmem>>) target_semaphore(%run_scoped3A : memref<!tpu.dma_semaphore, #tpu.memory_space<semaphore_mem>>)
        %dma_wait3A = arith.constant 32 : i32
        %dma_wait3A_73 = arith.constant 0 : i32
        %dma_wait3A_74 = arith.constant 0 : i32
        %dma_wait3A_75 = tpu.memref_slice %arg5[%dma_wait3A, %dma_wait3A_73, %dma_wait3A_74] : memref<42x1x128xi32, #tpu.memory_space<vmem>> -> memref<10x1x128xi32, #tpu.memory_space<vmem>>
        %dma_wait3A_76 = arith.constant 0 : i32
        %dma_wait3A_77 = arith.constant 0 : i32
        %dma_wait3A_78 = arith.constant 0 : i32
        %dma_wait3A_79 = tpu.memref_slice %arg3[%dma_wait3A_76, %dma_wait3A_77, %dma_wait3A_78] : memref<94x1x128xi32, #tpu.memory_space<hbm>> -> memref<10x1x128xi32, #tpu.memory_space<hbm>>
        %dma_wait3A_80 = arith.constant 32 : i32
        %dma_wait3A_81 = arith.constant 0 : i32
        %dma_wait3A_82 = arith.constant 0 : i32
        %dma_wait3A_83 = tpu.memref_slice %arg5[%dma_wait3A_80, %dma_wait3A_81, %dma_wait3A_82] : memref<42x1x128xi32, #tpu.memory_space<vmem>> -> memref<10x1x128xi32, #tpu.memory_space<vmem>>
        %dma_wait3A_84 = arith.constant 0 : i32
        %dma_wait3A_85 = arith.constant 0 : i32
        %dma_wait3A_86 = arith.constant 0 : i32
        %dma_wait3A_87 = tpu.memref_slice %arg3[%dma_wait3A_84, %dma_wait3A_85, %dma_wait3A_86] : memref<94x1x128xi32, #tpu.memory_space<hbm>> -> memref<10x1x128xi32, #tpu.memory_space<hbm>>
        tpu.wait_dma2 semaphore(%run_scoped3A : memref<!tpu.dma_semaphore, #tpu.memory_space<semaphore_mem>>) src(%dma_wait3A_87 : memref<10x1x128xi32, #tpu.memory_space<hbm>>) dst(%dma_wait3A_83 : memref<10x1x128xi32, #tpu.memory_space<vmem>>)
        tpu.yield
      }) : () -> ()
    } else {
    }
    %gt3A = arith.constant 29 : i32
    %gt3A_9 = arith.cmpi sgt, %add3A, %gt3A : i32
    %convert_element_type3A_10 = arith.extui %gt3A_9 : i1 to i32
    %cond3A_11 = arith.constant 0 : i32
    %cond3A_12 = arith.cmpi ne, %convert_element_type3A_10, %cond3A_11 : i32
    scf.if %cond3A_12 {
      %sub3A = arith.constant 1250 : i32
      %sub3A_58 = arith.subi %mul3A_2, %sub3A : i32
      "tpu.region"() ({
        %run_scoped3A = tpu.sem_alloc : memref<!tpu.dma_semaphore, #tpu.memory_space<semaphore_mem>>
        %dma_start3A = arith.constant 0 : i32
        %dma_start3A_59 = arith.constant 0 : i32
        %dma_start3A_60 = tpu.memref_slice %arg3[%sub3A_58, %dma_start3A, %dma_start3A_59] : memref<94x1x128xi32, #tpu.memory_space<hbm>> -> memref<42x1x128xi32, #tpu.memory_space<hbm>>
        %dma_start3A_61 = arith.constant 0 : i32
        %dma_start3A_62 = arith.constant 0 : i32
        %dma_start3A_63 = tpu.memref_slice %arg3[%sub3A_58, %dma_start3A_61, %dma_start3A_62] : memref<94x1x128xi32, #tpu.memory_space<hbm>> -> memref<42x1x128xi32, #tpu.memory_space<hbm>>
        tpu.enqueue_dma source(%dma_start3A_63 : memref<42x1x128xi32, #tpu.memory_space<hbm>>) target(%arg5 : memref<42x1x128xi32, #tpu.memory_space<vmem>>) target_semaphore(%run_scoped3A : memref<!tpu.dma_semaphore, #tpu.memory_space<semaphore_mem>>)
        %dma_wait3A = arith.constant 0 : i32
        %dma_wait3A_64 = arith.constant 0 : i32
        %dma_wait3A_65 = tpu.memref_slice %arg3[%sub3A_58, %dma_wait3A, %dma_wait3A_64] : memref<94x1x128xi32, #tpu.memory_space<hbm>> -> memref<42x1x128xi32, #tpu.memory_space<hbm>>
        %dma_wait3A_66 = arith.constant 0 : i32
        %dma_wait3A_67 = arith.constant 0 : i32
        %dma_wait3A_68 = tpu.memref_slice %arg3[%sub3A_58, %dma_wait3A_66, %dma_wait3A_67] : memref<94x1x128xi32, #tpu.memory_space<hbm>> -> memref<42x1x128xi32, #tpu.memory_space<hbm>>
        tpu.wait_dma2 semaphore(%run_scoped3A : memref<!tpu.dma_semaphore, #tpu.memory_space<semaphore_mem>>) src(%dma_wait3A_68 : memref<42x1x128xi32, #tpu.memory_space<hbm>>) dst(%arg5 : memref<42x1x128xi32, #tpu.memory_space<vmem>>)
        tpu.yield
      }) : () -> ()
    } else {
    }
    %scan3A = arith.constant 0 : i32
    %scan3A_13 = arith.constant 0 : i32
    %scan3A_14 = arith.constant 336 : i32
    %scan3A_15 = arith.addi %scan3A_13, %scan3A_14 : i32
    %scan3A_16 = arith.constant 1 : i32
    %scan3A_17 = scf.for %scan3A_58 = %scan3A_13 to %scan3A_15 step %scan3A_16 iter_args(%scan3A_59 = %scan3A) -> (i32)  : i32 {
      %jit3A = arith.constant 8 : i32
      %eq3A_60 = arith.constant 0 : i32
      %eq3A_61 = arith.cmpi eq, %jit3A, %eq3A_60 : i32
      %jit3A_62 = arith.constant 1 : i32
      %select_n3A = arith.select %eq3A_61, %jit3A_62, %jit3A : i32
      %rem3A = arith.remsi %scan3A_58, %select_n3A : i32
      %ne3A = arith.constant 0 : i32
      %ne3A_63 = arith.cmpi ne, %rem3A, %ne3A : i32
      %lt3A_64 = arith.constant 0 : i32
      %lt3A_65 = arith.cmpi slt, %rem3A, %lt3A_64 : i32
      %lt3A_66 = arith.constant 0 : i32
      %lt3A_67 = arith.cmpi slt, %select_n3A, %lt3A_66 : i32
      %ne3A_68 = arith.xori %lt3A_65, %lt3A_67 : i1
      %and3A = arith.andi %ne3A_68, %ne3A_63 : i1
      %add3A_69 = arith.addi %rem3A, %select_n3A : i32
      %select_n3A_70 = arith.select %and3A, %add3A_69, %rem3A : i32
      %mul3A_71 = arith.constant 16 : i32
      %mul3A_72 = arith.muli %select_n3A_70, %mul3A_71 : i32
      %jit3A_73 = arith.constant 8 : i32
      %div3A = arith.divsi %scan3A_58, %jit3A_73 : i32
      %sign3A = arith.constant 0 : i32
      %sign3A_74 = arith.cmpi sgt, %scan3A_58, %sign3A : i32
      %sign3A_75 = arith.extui %sign3A_74 : i1 to i32
      %sign3A_76 = arith.constant 0 : i32
      %sign3A_77 = arith.cmpi slt, %scan3A_58, %sign3A_76 : i32
      %sign3A_78 = arith.extui %sign3A_77 : i1 to i32
      %sign3A_79 = arith.subi %sign3A_75, %sign3A_78 : i32
      %sign3A_80 = arith.constant 0 : i32
      %sign3A_81 = arith.cmpi sgt, %jit3A_73, %sign3A_80 : i32
      %sign3A_82 = arith.extui %sign3A_81 : i1 to i32
      %sign3A_83 = arith.constant 0 : i32
      %sign3A_84 = arith.cmpi slt, %jit3A_73, %sign3A_83 : i32
      %sign3A_85 = arith.extui %sign3A_84 : i1 to i32
      %sign3A_86 = arith.subi %sign3A_82, %sign3A_85 : i32
      %ne3A_87 = arith.cmpi ne, %sign3A_79, %sign3A_86 : i32
      %rem3A_88 = arith.remsi %scan3A_58, %jit3A_73 : i32
      %ne3A_89 = arith.constant 0 : i32
      %ne3A_90 = arith.cmpi ne, %rem3A_88, %ne3A_89 : i32
      %and3A_91 = arith.andi %ne3A_87, %ne3A_90 : i1
      %sub3A = arith.constant 1 : i32
      %sub3A_92 = arith.subi %div3A, %sub3A : i32
      %select_n3A_93 = arith.select %and3A_91, %sub3A_92, %div3A : i32
      %get3A = arith.constant 0 : i32
      %get3A_94 = arith.index_cast %select_n3A_93 : i32 to index
      %get3A_95 = arith.index_cast %get3A : i32 to index
      %get3A_96 = arith.index_cast %mul3A_72 : i32 to index
      %get3A_97 = tpu.vector_load %arg5[%get3A_94, %get3A_95, %get3A_96] {strides = array<i32>} : memref<42x1x128xi32, #tpu.memory_space<vmem>>, vector<1x1x16xi32>,
      %get3A_98 = vector.shape_cast %get3A_97 : vector<1x1x16xi32> to vector<16xi32>
      %shift_right_logical3A = arith.constant 14 : i32
      %shift_right_logical3A_99 = vector.broadcast %shift_right_logical3A : i32 to vector<16xi32>
      %shift_right_logical3A_100 = arith.shrui %get3A_98, %shift_right_logical3A_99 : vector<16xi32>
      %jit3A_101 = arith.constant 8 : i32
      %div3A_102 = arith.divsi %scan3A_58, %jit3A_101 : i32
      %sign3A_103 = arith.constant 0 : i32
      %sign3A_104 = arith.cmpi sgt, %scan3A_58, %sign3A_103 : i32
      %sign3A_105 = arith.extui %sign3A_104 : i1 to i32
      %sign3A_106 = arith.constant 0 : i32
      %sign3A_107 = arith.cmpi slt, %scan3A_58, %sign3A_106 : i32
      %sign3A_108 = arith.extui %sign3A_107 : i1 to i32
      %sign3A_109 = arith.subi %sign3A_105, %sign3A_108 : i32
      %sign3A_110 = arith.constant 0 : i32
      %sign3A_111 = arith.cmpi sgt, %jit3A_101, %sign3A_110 : i32
      %sign3A_112 = arith.extui %sign3A_111 : i1 to i32
      %sign3A_113 = arith.constant 0 : i32
      %sign3A_114 = arith.cmpi slt, %jit3A_101, %sign3A_113 : i32
      %sign3A_115 = arith.extui %sign3A_114 : i1 to i32
      %sign3A_116 = arith.subi %sign3A_112, %sign3A_115 : i32
      %ne3A_117 = arith.cmpi ne, %sign3A_109, %sign3A_116 : i32
      %rem3A_118 = arith.remsi %scan3A_58, %jit3A_101 : i32
      %ne3A_119 = arith.constant 0 : i32
      %ne3A_120 = arith.cmpi ne, %rem3A_118, %ne3A_119 : i32
      %and3A_121 = arith.andi %ne3A_117, %ne3A_120 : i1
      %sub3A_122 = arith.constant 1 : i32
      %sub3A_123 = arith.subi %div3A_102, %sub3A_122 : i32
      %select_n3A_124 = arith.select %and3A_121, %sub3A_123, %div3A_102 : i32
      %swap3A = arith.constant 0 : i32
      %swap3A_125 = arith.index_cast %select_n3A_124 : i32 to index
      %swap3A_126 = arith.index_cast %swap3A : i32 to index
      %swap3A_127 = arith.index_cast %mul3A_72 : i32 to index
      %swap3A_128 = tpu.vector_load %arg6[%swap3A_125, %swap3A_126, %swap3A_127] {strides = array<i32>} : memref<42x1x128xi32, #tpu.memory_space<vmem>>, vector<1x1x16xi32>,
      %swap3A_129 = vector.shape_cast %swap3A_128 : vector<1x1x16xi32> to vector<16xi32>
      %swap3A_130 = vector.shape_cast %shift_right_logical3A_100 : vector<16xi32> to vector<1x1x16xi32>
      tpu.vector_store %arg6[%swap3A_125, %swap3A_126, %swap3A_127], %swap3A_130 {strides = array<i32>} : memref<42x1x128xi32, #tpu.memory_space<vmem>>, vector<1x1x16xi32>,
      %scan3A_131 = arith.constant 0 : i32
      scf.yield %scan3A_131 : i32
    }
    %scan3A_18 = arith.constant 336 : i32
    %scan3A_19 = arith.constant 0 : i32
    %scan3A_20 = arith.constant 0 : i32
    %scan3A_21 = arith.constant 8 : i32
    %scan3A_22 = arith.addi %scan3A_20, %scan3A_21 : i32
    %scan3A_23 = arith.constant 1 : i32
    %scan3A_24 = scf.for %scan3A_58 = %scan3A_20 to %scan3A_22 step %scan3A_23 iter_args(%scan3A_59 = %scan3A_19) -> (i32)  : i32 {
      %broadcast_in_dim3A = arith.constant 1.000000e+00 : f32
      %broadcast_in_dim3A_60 = vector.broadcast %broadcast_in_dim3A : f32 to vector<16xf32>
      %mul3A_61 = arith.constant 16 : i32
      %mul3A_62 = arith.muli %scan3A_58, %mul3A_61 : i32
      %swap3A = arith.index_cast %mul3A_62 : i32 to index
      %swap3A_63 = tpu.vector_load %arg7[%swap3A] {strides = array<i32>} : memref<128xf32, #tpu.memory_space<vmem>>, vector<16xf32>,
      %swap3A_64 = vector.shape_cast %swap3A_63 : vector<16xf32> to vector<16xf32>
      %swap3A_65 = vector.shape_cast %broadcast_in_dim3A_60 : vector<16xf32> to vector<16xf32>
      tpu.vector_store %arg7[%swap3A], %swap3A_65 {strides = array<i32>} : memref<128xf32, #tpu.memory_space<vmem>>, vector<16xf32>,
      %scan3A_66 = arith.constant 0 : i32
      scf.yield %scan3A_66 : i32
    }
    %scan3A_25 = arith.constant 8 : i32
    %scan3A_26 = arith.constant 0 : i32
    %scan3A_27 = arith.constant 0 : i32
    %scan3A_28 = arith.constant 125 : i32
    %scan3A_29 = arith.addi %scan3A_27, %scan3A_28 : i32
    %scan3A_30 = arith.constant 1 : i32
    %scan3A_31 = scf.for %scan3A_58 = %scan3A_27 to %scan3A_29 step %scan3A_30 iter_args(%scan3A_59 = %scan3A_26) -> (i32)  : i32 {
      %broadcast_in_dim3A = arith.constant 0.000000e+00 : f32
      %broadcast_in_dim3A_60 = vector.broadcast %broadcast_in_dim3A : f32 to vector<16xf32>
      %mul3A_61 = arith.constant 16 : i32
      %mul3A_62 = arith.muli %scan3A_58, %mul3A_61 : i32
      %swap3A = arith.index_cast %mul3A_62 : i32 to index
      %swap3A_63 = tpu.vector_load %arg8[%swap3A] {strides = array<i32>} : memref<2000xf32, #tpu.memory_space<vmem>>, vector<16xf32>,
      %swap3A_64 = vector.shape_cast %swap3A_63 : vector<16xf32> to vector<16xf32>
      %swap3A_65 = vector.shape_cast %broadcast_in_dim3A_60 : vector<16xf32> to vector<16xf32>
      tpu.vector_store %arg8[%swap3A], %swap3A_65 {strides = array<i32>} : memref<2000xf32, #tpu.memory_space<vmem>>, vector<16xf32>,
      %scan3A_66 = arith.constant 0 : i32
      scf.yield %scan3A_66 : i32
    }
    %scan3A_32 = arith.constant 125 : i32
    %eq3A_33 = arith.constant 0 : i32
    %eq3A_34 = arith.cmpi eq, %arg1, %eq3A_33 : i32
    %convert_element_type3A_35 = arith.extui %eq3A_34 : i1 to i32
    %cond3A_36 = arith.constant 0 : i32
    %cond3A_37 = arith.cmpi ne, %convert_element_type3A_35, %cond3A_36 : i32
    scf.if %cond3A_37 {
      %scan3A_58 = arith.constant 0 : i32
      %scan3A_59 = arith.constant 0 : i32
      %scan3A_60 = arith.constant 5 : i32
      %scan3A_61 = arith.addi %scan3A_59, %scan3A_60 : i32
      %scan3A_62 = arith.constant 1 : i32
      %scan3A_63 = scf.for %scan3A_72 = %scan3A_59 to %scan3A_61 step %scan3A_62 iter_args(%scan3A_73 = %scan3A_58) -> (i32)  : i32 {
        %mul3A_74 = arith.constant 2000 : i32
        %mul3A_75 = arith.muli %scan3A_72, %mul3A_74 : i32
        %dma_start3A = tpu.memref_slice %arg9[%mul3A_75] : memref<10512xf32, #tpu.memory_space<vmem_shared>> -> memref<2000xf32, #tpu.memory_space<vmem_shared>>
        %dma_start3A_76 = tpu.memref_slice %arg9[%mul3A_75] : memref<10512xf32, #tpu.memory_space<vmem_shared>> -> memref<2000xf32, #tpu.memory_space<vmem_shared>>
        tpu.enqueue_dma source(%arg8 : memref<2000xf32, #tpu.memory_space<vmem>>) target(%dma_start3A_76 : memref<2000xf32, #tpu.memory_space<vmem_shared>>) target_semaphore(%arg11 : memref<!tpu.dma_semaphore, #tpu.memory_space<semaphore_mem>>)
        %scan3A_77 = arith.constant 0 : i32
        scf.yield %scan3A_77 : i32
      }
      %scan3A_64 = arith.constant 5 : i32
      %scan3A_65 = arith.constant 0 : i32
      %scan3A_66 = arith.constant 0 : i32
      %scan3A_67 = arith.constant 5 : i32
      %scan3A_68 = arith.addi %scan3A_66, %scan3A_67 : i32
      %scan3A_69 = arith.constant 1 : i32
      %scan3A_70 = scf.for %scan3A_72 = %scan3A_66 to %scan3A_68 step %scan3A_69 iter_args(%scan3A_73 = %scan3A_65) -> (i32)  : i32 {
        %dma_wait3A = arith.constant 0 : i32
        %dma_wait3A_74 = tpu.memref_slice %arg9[%dma_wait3A] : memref<10512xf32, #tpu.memory_space<vmem_shared>> -> memref<2000xf32, #tpu.memory_space<vmem_shared>>
        %dma_wait3A_75 = arith.constant 0 : i32
        %dma_wait3A_76 = tpu.memref_slice %arg9[%dma_wait3A_75] : memref<10512xf32, #tpu.memory_space<vmem_shared>> -> memref<2000xf32, #tpu.memory_space<vmem_shared>>
        tpu.wait_dma2 semaphore(%arg11 : memref<!tpu.dma_semaphore, #tpu.memory_space<semaphore_mem>>) src(%arg8 : memref<2000xf32, #tpu.memory_space<vmem>>) dst(%dma_wait3A_76 : memref<2000xf32, #tpu.memory_space<vmem_shared>>)
        %scan3A_77 = arith.constant 0 : i32
        scf.yield %scan3A_77 : i32
      }
      %scan3A_71 = arith.constant 5 : i32
    } else {
    }
    %barrier3A = arith.constant 0 : index
    tpu.barrier barrier_id(%barrier3A)
    %scan3A_38 = arith.constant 0 : i32
    %scan3A_39 = arith.constant 0 : i32
    %scan3A_40 = arith.constant 42 : i32
    %scan3A_41 = arith.addi %scan3A_39, %scan3A_40 : i32
    %scan3A_42 = arith.constant 1 : i32
    %scan3A_43 = scf.for %scan3A_58 = %scan3A_39 to %scan3A_41 step %scan3A_42 iter_args(%scan3A_59 = %scan3A_38) -> (i32)  : i32 {
      %dma_start3A = arith.constant 0 : i32
      %dma_start3A_60 = arith.constant 0 : i32
      %dma_start3A_61 = tpu.memref_slice %arg6[%scan3A_58, %dma_start3A, %dma_start3A_60] : memref<42x1x128xi32, #tpu.memory_space<vmem>> -> memref<1x1x128xi32, #tpu.memory_space<vmem>>
      %dma_start3A_62 = tpu.memref_squeeze %dma_start3A_61 : memref<1x1x128xi32, #tpu.memory_space<vmem>> -> memref<128xi32, #tpu.memory_space<vmem>>
      %dma_start3A_63 = arith.constant 0 : i32
      %dma_start3A_64 = tpu.memref_slice %arg9[%dma_start3A_63] : memref<10512xf32, #tpu.memory_space<vmem_shared>> -> memref<10512xf32, #tpu.memory_space<vmem_shared>>
      tpu.enqueue_indirect_dma source(%arg7 : memref<128xf32, #tpu.memory_space<vmem>>) target(%dma_start3A_64 : memref<10512xf32, #tpu.memory_space<vmem_shared>>) offsets(%dma_start3A_62 : memref<128xi32, #tpu.memory_space<vmem>>) semaphore(%arg10 : memref<!tpu.dma_semaphore, #tpu.memory_space<semaphore_mem>>) {add = true}
      %scan3A_65 = arith.constant 0 : i32
      scf.yield %scan3A_65 : i32
    }
    %scan3A_44 = arith.constant 42 : i32
    %scan3A_45 = arith.constant 0 : i32
    %scan3A_46 = arith.constant 0 : i32
    %scan3A_47 = arith.constant 42 : i32
    %scan3A_48 = arith.addi %scan3A_46, %scan3A_47 : i32
    %scan3A_49 = arith.constant 1 : i32
    %scan3A_50 = scf.for %scan3A_58 = %scan3A_46 to %scan3A_48 step %scan3A_49 iter_args(%scan3A_59 = %scan3A_45) -> (i32)  : i32 {
      %dma_wait3A = arith.constant 0 : i32
      %dma_wait3A_60 = arith.constant 0 : i32
      %dma_wait3A_61 = arith.constant 0 : i32
      %dma_wait3A_62 = tpu.memref_slice %arg6[%dma_wait3A, %dma_wait3A_60, %dma_wait3A_61] : memref<42x1x128xi32, #tpu.memory_space<vmem>> -> memref<1x1x128xi32, #tpu.memory_space<vmem>>
      %dma_wait3A_63 = tpu.memref_squeeze %dma_wait3A_62 : memref<1x1x128xi32, #tpu.memory_space<vmem>> -> memref<128xi32, #tpu.memory_space<vmem>>
      %dma_wait3A_64 = arith.constant 0 : i32
      %dma_wait3A_65 = tpu.memref_slice %arg9[%dma_wait3A_64] : memref<10512xf32, #tpu.memory_space<vmem_shared>> -> memref<10512xf32, #tpu.memory_space<vmem_shared>>
      tpu.wait_indirect_dma semaphore(%arg10 : memref<!tpu.dma_semaphore, #tpu.memory_space<semaphore_mem>>) src(%arg7 : memref<128xf32, #tpu.memory_space<vmem>>) dst(%dma_wait3A_65 : memref<10512xf32, #tpu.memory_space<vmem_shared>>)
      %scan3A_66 = arith.constant 0 : i32
      scf.yield %scan3A_66 : i32
    }
    %scan3A_51 = arith.constant 42 : i32
    %barrier3A_52 = arith.constant 0 : index
    tpu.barrier barrier_id(%barrier3A_52)
    %eq3A_53 = arith.constant 0 : i32
    %eq3A_54 = arith.cmpi eq, %arg1, %eq3A_53 : i32
    %convert_element_type3A_55 = arith.extui %eq3A_54 : i1 to i32
    %cond3A_56 = arith.constant 0 : i32
    %cond3A_57 = arith.cmpi ne, %convert_element_type3A_55, %cond3A_56 : i32
    scf.if %cond3A_57 {
      %run_scoped3A = arith.constant 0 : i32
      "tpu.region"() ({
        %run_scoped3A_58 = tpu.sem_alloc : memref<!tpu.dma_semaphore, #tpu.memory_space<semaphore_mem>>
        %dma_start3A = arith.constant 0 : i32
        %dma_start3A_59 = tpu.memref_slice %arg4[%arg0, %run_scoped3A, %dma_start3A] : memref<2x1x10512xf32, #tpu.memory_space<hbm>> -> memref<1x1x10512xf32, #tpu.memory_space<hbm>>
        %dma_start3A_60 = tpu.memref_squeeze %dma_start3A_59 : memref<1x1x10512xf32, #tpu.memory_space<hbm>> -> memref<10512xf32, #tpu.memory_space<hbm>>
        tpu.enqueue_dma source(%arg9 : memref<10512xf32, #tpu.memory_space<vmem_shared>>) target(%dma_start3A_60 : memref<10512xf32, #tpu.memory_space<hbm>>) target_semaphore(%run_scoped3A_58 : memref<!tpu.dma_semaphore, #tpu.memory_space<semaphore_mem>>)
        %dma_wait3A = arith.constant 0 : i32
        %dma_wait3A_61 = tpu.memref_slice %arg4[%arg0, %run_scoped3A, %dma_wait3A] : memref<2x1x10512xf32, #tpu.memory_space<hbm>> -> memref<1x1x10512xf32, #tpu.memory_space<hbm>>
        %dma_wait3A_62 = tpu.memref_squeeze %dma_wait3A_61 : memref<1x1x10512xf32, #tpu.memory_space<hbm>> -> memref<10512xf32, #tpu.memory_space<hbm>>
        tpu.wait_dma2 semaphore(%run_scoped3A_58 : memref<!tpu.dma_semaphore, #tpu.memory_space<semaphore_mem>>) src(%arg9 : memref<10512xf32, #tpu.memory_space<vmem_shared>>) dst(%dma_wait3A_62 : memref<10512xf32, #tpu.memory_space<hbm>>)
        tpu.yield
      }) : () -> ()
    } else {
    }
    return
  }
}

#map = affine_map<(d0, d1) -> (0, 0)>
#map1 = affine_map<(d0, d1) -> (0, 0, 0)>
module attributes {stable_mosaic.version = 14 : i64} {
  func.func @_agg_kernel(%arg0: i32, %arg1: i32, %arg2: memref<20000x128xf32, #tpu.memory_space<hbm>>, %arg3: memref<1250x1x128xi32, #tpu.memory_space<hbm>>, %arg4: memref<94x1x128xi32, #tpu.memory_space<hbm>>, %arg5: memref<2x10000x128xf32, #tpu.memory_space<hbm>>, %arg6: memref<84x1x128xi32, #tpu.memory_space<vmem>>, %arg7: memref<2x1x128xi32, #tpu.memory_space<vmem>>, %arg8: memref<2x1x128xi32, #tpu.memory_space<vmem>>, %arg9: memref<128x128xf32, #tpu.memory_space<vmem>>, %arg10: memref<128x128xf32, #tpu.memory_space<vmem>>, %arg11: memref<8x128xf32, #tpu.memory_space<vmem>>, %arg12: memref<10512x128xf32, #tpu.memory_space<vmem_shared>>, %arg13: memref<!tpu.dma_semaphore, #tpu.memory_space<semaphore_mem>>, %arg14: memref<!tpu.dma_semaphore, #tpu.memory_space<semaphore_mem>>, %arg15: memref<!tpu.dma_semaphore, #tpu.memory_space<semaphore_mem>>, %arg16: memref<!tpu.dma_semaphore, #tpu.memory_space<semaphore_mem>>, %arg17: memref<!tpu.dma_semaphore, #tpu.memory_space<semaphore_mem>>) attributes {dimension_semantics = [#tpu.dimension_semantics<core_parallel>, #tpu.dimension_semantics<subcore_parallel>], iteration_bounds = array<i64: 2, 16>, scalar_prefetch = 0 : i64, scratch_operands = 12 : i64, tpu.core_type = #tpu.core_type<sc_vector_subcore>, window_params = [{transform_indices = #map}, {transform_indices = #map1}, {transform_indices = #map1}, {transform_indices = #map1}]} {
    %mul3A = arith.constant 84 : i32
    %mul3A_0 = arith.muli %arg1, %mul3A : i32
    %lt3A = arith.constant 14 : i32
    %lt3A_1 = arith.cmpi slt, %arg1, %lt3A : i32
    %convert_element_type3A = arith.extui %lt3A_1 : i1 to i32
    %cond3A = arith.constant 0 : i32
    %cond3A_2 = arith.cmpi ne, %convert_element_type3A, %cond3A : i32
    scf.if %cond3A_2 {
      "tpu.region"() ({
        %run_scoped3A = tpu.sem_alloc : memref<!tpu.dma_semaphore, #tpu.memory_space<semaphore_mem>>
        %dma_start3A_143 = arith.constant 0 : i32
        %dma_start3A_144 = arith.constant 0 : i32
        %dma_start3A_145 = tpu.memref_slice %arg3[%mul3A_0, %dma_start3A_143, %dma_start3A_144] : memref<1250x1x128xi32, #tpu.memory_space<hbm>> -> memref<84x1x128xi32, #tpu.memory_space<hbm>>
        %dma_start3A_146 = arith.constant 0 : i32
        %dma_start3A_147 = arith.constant 0 : i32
        %dma_start3A_148 = tpu.memref_slice %arg3[%mul3A_0, %dma_start3A_146, %dma_start3A_147] : memref<1250x1x128xi32, #tpu.memory_space<hbm>> -> memref<84x1x128xi32, #tpu.memory_space<hbm>>
        tpu.enqueue_dma source(%dma_start3A_148 : memref<84x1x128xi32, #tpu.memory_space<hbm>>) target(%arg6 : memref<84x1x128xi32, #tpu.memory_space<vmem>>) target_semaphore(%run_scoped3A : memref<!tpu.dma_semaphore, #tpu.memory_space<semaphore_mem>>)
        %dma_wait3A_149 = arith.constant 0 : i32
        %dma_wait3A_150 = arith.constant 0 : i32
        %dma_wait3A_151 = tpu.memref_slice %arg3[%mul3A_0, %dma_wait3A_149, %dma_wait3A_150] : memref<1250x1x128xi32, #tpu.memory_space<hbm>> -> memref<84x1x128xi32, #tpu.memory_space<hbm>>
        %dma_wait3A_152 = arith.constant 0 : i32
        %dma_wait3A_153 = arith.constant 0 : i32
        %dma_wait3A_154 = tpu.memref_slice %arg3[%mul3A_0, %dma_wait3A_152, %dma_wait3A_153] : memref<1250x1x128xi32, #tpu.memory_space<hbm>> -> memref<84x1x128xi32, #tpu.memory_space<hbm>>
        tpu.wait_dma2 semaphore(%run_scoped3A : memref<!tpu.dma_semaphore, #tpu.memory_space<semaphore_mem>>) src(%dma_wait3A_154 : memref<84x1x128xi32, #tpu.memory_space<hbm>>) dst(%arg6 : memref<84x1x128xi32, #tpu.memory_space<vmem>>)
        tpu.yield
      }) : () -> ()
    } else {
    }
    %eq3A = arith.constant 14 : i32
    %eq3A_3 = arith.cmpi eq, %arg1, %eq3A : i32
    %convert_element_type3A_4 = arith.extui %eq3A_3 : i1 to i32
    %cond3A_5 = arith.constant 0 : i32
    %cond3A_6 = arith.cmpi ne, %convert_element_type3A_4, %cond3A_5 : i32
    scf.if %cond3A_6 {
      "tpu.region"() ({
        %run_scoped3A = tpu.sem_alloc : memref<!tpu.dma_semaphore, #tpu.memory_space<semaphore_mem>>
        %dma_start3A_143 = arith.constant 0 : i32
        %dma_start3A_144 = arith.constant 0 : i32
        %dma_start3A_145 = arith.constant 0 : i32
        %dma_start3A_146 = tpu.memref_slice %arg6[%dma_start3A_143, %dma_start3A_144, %dma_start3A_145] : memref<84x1x128xi32, #tpu.memory_space<vmem>> -> memref<74x1x128xi32, #tpu.memory_space<vmem>>
        %dma_start3A_147 = arith.constant 1176 : i32
        %dma_start3A_148 = arith.constant 0 : i32
        %dma_start3A_149 = arith.constant 0 : i32
        %dma_start3A_150 = tpu.memref_slice %arg3[%dma_start3A_147, %dma_start3A_148, %dma_start3A_149] : memref<1250x1x128xi32, #tpu.memory_space<hbm>> -> memref<74x1x128xi32, #tpu.memory_space<hbm>>
        %dma_start3A_151 = arith.constant 0 : i32
        %dma_start3A_152 = arith.constant 0 : i32
        %dma_start3A_153 = arith.constant 0 : i32
        %dma_start3A_154 = tpu.memref_slice %arg6[%dma_start3A_151, %dma_start3A_152, %dma_start3A_153] : memref<84x1x128xi32, #tpu.memory_space<vmem>> -> memref<74x1x128xi32, #tpu.memory_space<vmem>>
        %dma_start3A_155 = arith.constant 1176 : i32
        %dma_start3A_156 = arith.constant 0 : i32
        %dma_start3A_157 = arith.constant 0 : i32
        %dma_start3A_158 = tpu.memref_slice %arg3[%dma_start3A_155, %dma_start3A_156, %dma_start3A_157] : memref<1250x1x128xi32, #tpu.memory_space<hbm>> -> memref<74x1x128xi32, #tpu.memory_space<hbm>>
        tpu.enqueue_dma source(%dma_start3A_158 : memref<74x1x128xi32, #tpu.memory_space<hbm>>) target(%dma_start3A_154 : memref<74x1x128xi32, #tpu.memory_space<vmem>>) target_semaphore(%run_scoped3A : memref<!tpu.dma_semaphore, #tpu.memory_space<semaphore_mem>>)
        %dma_wait3A_159 = arith.constant 0 : i32
        %dma_wait3A_160 = arith.constant 0 : i32
        %dma_wait3A_161 = arith.constant 0 : i32
        %dma_wait3A_162 = tpu.memref_slice %arg6[%dma_wait3A_159, %dma_wait3A_160, %dma_wait3A_161] : memref<84x1x128xi32, #tpu.memory_space<vmem>> -> memref<74x1x128xi32, #tpu.memory_space<vmem>>
        %dma_wait3A_163 = arith.constant 1176 : i32
        %dma_wait3A_164 = arith.constant 0 : i32
        %dma_wait3A_165 = arith.constant 0 : i32
        %dma_wait3A_166 = tpu.memref_slice %arg3[%dma_wait3A_163, %dma_wait3A_164, %dma_wait3A_165] : memref<1250x1x128xi32, #tpu.memory_space<hbm>> -> memref<74x1x128xi32, #tpu.memory_space<hbm>>
        %dma_wait3A_167 = arith.constant 0 : i32
        %dma_wait3A_168 = arith.constant 0 : i32
        %dma_wait3A_169 = arith.constant 0 : i32
        %dma_wait3A_170 = tpu.memref_slice %arg6[%dma_wait3A_167, %dma_wait3A_168, %dma_wait3A_169] : memref<84x1x128xi32, #tpu.memory_space<vmem>> -> memref<74x1x128xi32, #tpu.memory_space<vmem>>
        %dma_wait3A_171 = arith.constant 1176 : i32
        %dma_wait3A_172 = arith.constant 0 : i32
        %dma_wait3A_173 = arith.constant 0 : i32
        %dma_wait3A_174 = tpu.memref_slice %arg3[%dma_wait3A_171, %dma_wait3A_172, %dma_wait3A_173] : memref<1250x1x128xi32, #tpu.memory_space<hbm>> -> memref<74x1x128xi32, #tpu.memory_space<hbm>>
        tpu.wait_dma2 semaphore(%run_scoped3A : memref<!tpu.dma_semaphore, #tpu.memory_space<semaphore_mem>>) src(%dma_wait3A_174 : memref<74x1x128xi32, #tpu.memory_space<hbm>>) dst(%dma_wait3A_170 : memref<74x1x128xi32, #tpu.memory_space<vmem>>)
        tpu.yield
      }) : () -> ()
      "tpu.region"() ({
        %run_scoped3A = tpu.sem_alloc : memref<!tpu.dma_semaphore, #tpu.memory_space<semaphore_mem>>
        %dma_start3A_143 = arith.constant 74 : i32
        %dma_start3A_144 = arith.constant 0 : i32
        %dma_start3A_145 = arith.constant 0 : i32
        %dma_start3A_146 = tpu.memref_slice %arg6[%dma_start3A_143, %dma_start3A_144, %dma_start3A_145] : memref<84x1x128xi32, #tpu.memory_space<vmem>> -> memref<10x1x128xi32, #tpu.memory_space<vmem>>
        %dma_start3A_147 = arith.constant 0 : i32
        %dma_start3A_148 = arith.constant 0 : i32
        %dma_start3A_149 = arith.constant 0 : i32
        %dma_start3A_150 = tpu.memref_slice %arg4[%dma_start3A_147, %dma_start3A_148, %dma_start3A_149] : memref<94x1x128xi32, #tpu.memory_space<hbm>> -> memref<10x1x128xi32, #tpu.memory_space<hbm>>
        %dma_start3A_151 = arith.constant 74 : i32
        %dma_start3A_152 = arith.constant 0 : i32
        %dma_start3A_153 = arith.constant 0 : i32
        %dma_start3A_154 = tpu.memref_slice %arg6[%dma_start3A_151, %dma_start3A_152, %dma_start3A_153] : memref<84x1x128xi32, #tpu.memory_space<vmem>> -> memref<10x1x128xi32, #tpu.memory_space<vmem>>
        %dma_start3A_155 = arith.constant 0 : i32
        %dma_start3A_156 = arith.constant 0 : i32
        %dma_start3A_157 = arith.constant 0 : i32
        %dma_start3A_158 = tpu.memref_slice %arg4[%dma_start3A_155, %dma_start3A_156, %dma_start3A_157] : memref<94x1x128xi32, #tpu.memory_space<hbm>> -> memref<10x1x128xi32, #tpu.memory_space<hbm>>
        tpu.enqueue_dma source(%dma_start3A_158 : memref<10x1x128xi32, #tpu.memory_space<hbm>>) target(%dma_start3A_154 : memref<10x1x128xi32, #tpu.memory_space<vmem>>) target_semaphore(%run_scoped3A : memref<!tpu.dma_semaphore, #tpu.memory_space<semaphore_mem>>)
        %dma_wait3A_159 = arith.constant 74 : i32
        %dma_wait3A_160 = arith.constant 0 : i32
        %dma_wait3A_161 = arith.constant 0 : i32
        %dma_wait3A_162 = tpu.memref_slice %arg6[%dma_wait3A_159, %dma_wait3A_160, %dma_wait3A_161] : memref<84x1x128xi32, #tpu.memory_space<vmem>> -> memref<10x1x128xi32, #tpu.memory_space<vmem>>
        %dma_wait3A_163 = arith.constant 0 : i32
        %dma_wait3A_164 = arith.constant 0 : i32
        %dma_wait3A_165 = arith.constant 0 : i32
        %dma_wait3A_166 = tpu.memref_slice %arg4[%dma_wait3A_163, %dma_wait3A_164, %dma_wait3A_165] : memref<94x1x128xi32, #tpu.memory_space<hbm>> -> memref<10x1x128xi32, #tpu.memory_space<hbm>>
        %dma_wait3A_167 = arith.constant 74 : i32
        %dma_wait3A_168 = arith.constant 0 : i32
        %dma_wait3A_169 = arith.constant 0 : i32
        %dma_wait3A_170 = tpu.memref_slice %arg6[%dma_wait3A_167, %dma_wait3A_168, %dma_wait3A_169] : memref<84x1x128xi32, #tpu.memory_space<vmem>> -> memref<10x1x128xi32, #tpu.memory_space<vmem>>
        %dma_wait3A_171 = arith.constant 0 : i32
        %dma_wait3A_172 = arith.constant 0 : i32
        %dma_wait3A_173 = arith.constant 0 : i32
        %dma_wait3A_174 = tpu.memref_slice %arg4[%dma_wait3A_171, %dma_wait3A_172, %dma_wait3A_173] : memref<94x1x128xi32, #tpu.memory_space<hbm>> -> memref<10x1x128xi32, #tpu.memory_space<hbm>>
        tpu.wait_dma2 semaphore(%run_scoped3A : memref<!tpu.dma_semaphore, #tpu.memory_space<semaphore_mem>>) src(%dma_wait3A_174 : memref<10x1x128xi32, #tpu.memory_space<hbm>>) dst(%dma_wait3A_170 : memref<10x1x128xi32, #tpu.memory_space<vmem>>)
        tpu.yield
      }) : () -> ()
    } else {
    }
    %gt3A = arith.constant 14 : i32
    %gt3A_7 = arith.cmpi sgt, %arg1, %gt3A : i32
    %convert_element_type3A_8 = arith.extui %gt3A_7 : i1 to i32
    %cond3A_9 = arith.constant 0 : i32
    %cond3A_10 = arith.cmpi ne, %convert_element_type3A_8, %cond3A_9 : i32
    scf.if %cond3A_10 {
      %sub3A = arith.constant 1250 : i32
      %sub3A_143 = arith.subi %mul3A_0, %sub3A : i32
      "tpu.region"() ({
        %run_scoped3A = tpu.sem_alloc : memref<!tpu.dma_semaphore, #tpu.memory_space<semaphore_mem>>
        %dma_start3A_144 = arith.constant 0 : i32
        %dma_start3A_145 = arith.constant 0 : i32
        %dma_start3A_146 = tpu.memref_slice %arg4[%sub3A_143, %dma_start3A_144, %dma_start3A_145] : memref<94x1x128xi32, #tpu.memory_space<hbm>> -> memref<84x1x128xi32, #tpu.memory_space<hbm>>
        %dma_start3A_147 = arith.constant 0 : i32
        %dma_start3A_148 = arith.constant 0 : i32
        %dma_start3A_149 = tpu.memref_slice %arg4[%sub3A_143, %dma_start3A_147, %dma_start3A_148] : memref<94x1x128xi32, #tpu.memory_space<hbm>> -> memref<84x1x128xi32, #tpu.memory_space<hbm>>
        tpu.enqueue_dma source(%dma_start3A_149 : memref<84x1x128xi32, #tpu.memory_space<hbm>>) target(%arg6 : memref<84x1x128xi32, #tpu.memory_space<vmem>>) target_semaphore(%run_scoped3A : memref<!tpu.dma_semaphore, #tpu.memory_space<semaphore_mem>>)
        %dma_wait3A_150 = arith.constant 0 : i32
        %dma_wait3A_151 = arith.constant 0 : i32
        %dma_wait3A_152 = tpu.memref_slice %arg4[%sub3A_143, %dma_wait3A_150, %dma_wait3A_151] : memref<94x1x128xi32, #tpu.memory_space<hbm>> -> memref<84x1x128xi32, #tpu.memory_space<hbm>>
        %dma_wait3A_153 = arith.constant 0 : i32
        %dma_wait3A_154 = arith.constant 0 : i32
        %dma_wait3A_155 = tpu.memref_slice %arg4[%sub3A_143, %dma_wait3A_153, %dma_wait3A_154] : memref<94x1x128xi32, #tpu.memory_space<hbm>> -> memref<84x1x128xi32, #tpu.memory_space<hbm>>
        tpu.wait_dma2 semaphore(%run_scoped3A : memref<!tpu.dma_semaphore, #tpu.memory_space<semaphore_mem>>) src(%dma_wait3A_155 : memref<84x1x128xi32, #tpu.memory_space<hbm>>) dst(%arg6 : memref<84x1x128xi32, #tpu.memory_space<vmem>>)
        tpu.yield
      }) : () -> ()
    } else {
    }
    %mul3A_11 = arith.constant 10000 : i32
    %mul3A_12 = arith.muli %arg0, %mul3A_11 : i32
    %scan3A = arith.constant 0 : i32
    %scan3A_13 = arith.constant 0 : i32
    %scan3A_14 = arith.constant 64 : i32
    %scan3A_15 = arith.addi %scan3A_13, %scan3A_14 : i32
    %scan3A_16 = arith.constant 1 : i32
    %scan3A_17 = scf.for %scan3A_143 = %scan3A_13 to %scan3A_15 step %scan3A_16 iter_args(%scan3A_144 = %scan3A) -> (i32)  : i32 {
      %broadcast_in_dim3A = arith.constant 0.000000e+00 : f32
      %broadcast_in_dim3A_145 = vector.broadcast %broadcast_in_dim3A : f32 to vector<16xf32>
      %jit3A_146 = arith.constant 8 : i32
      %div3A = arith.divsi %scan3A_143, %jit3A_146 : i32
      %sign3A = arith.constant 0 : i32
      %sign3A_147 = arith.cmpi sgt, %scan3A_143, %sign3A : i32
      %sign3A_148 = arith.extui %sign3A_147 : i1 to i32
      %sign3A_149 = arith.constant 0 : i32
      %sign3A_150 = arith.cmpi slt, %scan3A_143, %sign3A_149 : i32
      %sign3A_151 = arith.extui %sign3A_150 : i1 to i32
      %sign3A_152 = arith.subi %sign3A_148, %sign3A_151 : i32
      %sign3A_153 = arith.constant 0 : i32
      %sign3A_154 = arith.cmpi sgt, %jit3A_146, %sign3A_153 : i32
      %sign3A_155 = arith.extui %sign3A_154 : i1 to i32
      %sign3A_156 = arith.constant 0 : i32
      %sign3A_157 = arith.cmpi slt, %jit3A_146, %sign3A_156 : i32
      %sign3A_158 = arith.extui %sign3A_157 : i1 to i32
      %sign3A_159 = arith.subi %sign3A_155, %sign3A_158 : i32
      %ne3A = arith.cmpi ne, %sign3A_152, %sign3A_159 : i32
      %rem3A = arith.remsi %scan3A_143, %jit3A_146 : i32
      %ne3A_160 = arith.constant 0 : i32
      %ne3A_161 = arith.cmpi ne, %rem3A, %ne3A_160 : i32
      %and3A = arith.andi %ne3A, %ne3A_161 : i1
      %sub3A = arith.constant 1 : i32
      %sub3A_162 = arith.subi %div3A, %sub3A : i32
      %select_n3A_163 = arith.select %and3A, %sub3A_162, %div3A : i32
      %jit3A_164 = arith.constant 8 : i32
      %eq3A_165 = arith.constant 0 : i32
      %eq3A_166 = arith.cmpi eq, %jit3A_164, %eq3A_165 : i32
      %jit3A_167 = arith.constant 1 : i32
      %select_n3A_168 = arith.select %eq3A_166, %jit3A_167, %jit3A_164 : i32
      %rem3A_169 = arith.remsi %scan3A_143, %select_n3A_168 : i32
      %ne3A_170 = arith.constant 0 : i32
      %ne3A_171 = arith.cmpi ne, %rem3A_169, %ne3A_170 : i32
      %lt3A_172 = arith.constant 0 : i32
      %lt3A_173 = arith.cmpi slt, %rem3A_169, %lt3A_172 : i32
      %lt3A_174 = arith.constant 0 : i32
      %lt3A_175 = arith.cmpi slt, %select_n3A_168, %lt3A_174 : i32
      %ne3A_176 = arith.xori %lt3A_173, %lt3A_175 : i1
      %and3A_177 = arith.andi %ne3A_176, %ne3A_171 : i1
      %add3A_178 = arith.addi %rem3A_169, %select_n3A_168 : i32
      %select_n3A_179 = arith.select %and3A_177, %add3A_178, %rem3A_169 : i32
      %mul3A_180 = arith.constant 16 : i32
      %mul3A_181 = arith.muli %select_n3A_179, %mul3A_180 : i32
      %swap3A = arith.index_cast %select_n3A_163 : i32 to index
      %swap3A_182 = arith.index_cast %mul3A_181 : i32 to index
      %swap3A_183 = tpu.vector_load %arg11[%swap3A, %swap3A_182] {strides = array<i32>} : memref<8x128xf32, #tpu.memory_space<vmem>>, vector<1x16xf32>,
      %swap3A_184 = vector.shape_cast %swap3A_183 : vector<1x16xf32> to vector<16xf32>
      %swap3A_185 = vector.shape_cast %broadcast_in_dim3A_145 : vector<16xf32> to vector<1x16xf32>
      tpu.vector_store %arg11[%swap3A, %swap3A_182], %swap3A_185 {strides = array<i32>} : memref<8x128xf32, #tpu.memory_space<vmem>>, vector<1x16xf32>,
      %scan3A_186 = arith.constant 0 : i32
      scf.yield %scan3A_186 : i32
    }
    %scan3A_18 = arith.constant 64 : i32
    %mul3A_19 = arith.constant 624 : i32
    %mul3A_20 = arith.muli %mul3A_19, %arg1 : i32
    %min3A = arith.constant 2 : i32
    %min3A_21 = arith.minsi %arg1, %min3A : i32
    %mul3A_22 = arith.constant 8 : i32
    %mul3A_23 = arith.muli %mul3A_22, %min3A_21 : i32
    %add3A = arith.addi %mul3A_20, %mul3A_23 : i32
    %lt3A_24 = arith.constant 2 : i32
    %lt3A_25 = arith.cmpi slt, %arg1, %lt3A_24 : i32
    %jit3A = arith.constant 79 : i32
    %jit3A_26 = arith.constant 78 : i32
    %select_n3A = arith.select %lt3A_25, %jit3A, %jit3A_26 : i32
    %while3A = arith.constant 0 : i32
    %while3A_27 = arith.constant 0 : i32
    %while3A_28 = arith.subi %select_n3A, %while3A : i32
    %while3A_29 = arith.addi %while3A, %while3A_28 : i32
    %while3A_30 = arith.constant 1 : i32
    %while3A_31 = arith.divsi %while3A_28, %while3A_30 : i32
    %while3A_32 = arith.muli %while3A_31, %while3A_30 : i32
    %while3A_33 = arith.addi %while3A, %while3A_32 : i32
    %while3A_34 = arith.constant 1 : i32
    %while3A_35 = scf.for %while3A_143 = %while3A to %while3A_33 step %while3A_34 iter_args(%while3A_144 = %while3A_27) -> (i32)  : i32 {
      %mul3A_145 = arith.constant 8 : i32
      %mul3A_146 = arith.muli %while3A_143, %mul3A_145 : i32
      %add3A_147 = arith.addi %add3A, %mul3A_146 : i32
      %dma_start3A_148 = arith.constant 0 : i32
      %dma_start3A_149 = tpu.memref_slice %arg12[%add3A_147, %dma_start3A_148] : memref<10512x128xf32, #tpu.memory_space<vmem_shared>> -> memref<8x128xf32, #tpu.memory_space<vmem_shared>>
      %dma_start3A_150 = arith.constant 0 : i32
      %dma_start3A_151 = tpu.memref_slice %arg12[%add3A_147, %dma_start3A_150] : memref<10512x128xf32, #tpu.memory_space<vmem_shared>> -> memref<8x128xf32, #tpu.memory_space<vmem_shared>>
      tpu.enqueue_dma source(%arg11 : memref<8x128xf32, #tpu.memory_space<vmem>>) target(%dma_start3A_151 : memref<8x128xf32, #tpu.memory_space<vmem_shared>>) target_semaphore(%arg17 : memref<!tpu.dma_semaphore, #tpu.memory_space<semaphore_mem>>)
      %while3A_152 = arith.constant 0 : i32
      scf.yield %while3A_152 : i32
    }
    %while3A_36 = arith.constant 1 : i32
    %while3A_37 = scf.for %while3A_143 = %while3A_33 to %while3A_29 step %while3A_36 iter_args(%while3A_144 = %while3A_35) -> (i32)  : i32 {
      %mul3A_145 = arith.constant 8 : i32
      %mul3A_146 = arith.muli %while3A_143, %mul3A_145 : i32
      %add3A_147 = arith.addi %add3A, %mul3A_146 : i32
      %dma_start3A_148 = arith.constant 0 : i32
      %dma_start3A_149 = tpu.memref_slice %arg12[%add3A_147, %dma_start3A_148] : memref<10512x128xf32, #tpu.memory_space<vmem_shared>> -> memref<8x128xf32, #tpu.memory_space<vmem_shared>>
      %dma_start3A_150 = arith.constant 0 : i32
      %dma_start3A_151 = tpu.memref_slice %arg12[%add3A_147, %dma_start3A_150] : memref<10512x128xf32, #tpu.memory_space<vmem_shared>> -> memref<8x128xf32, #tpu.memory_space<vmem_shared>>
      tpu.enqueue_dma source(%arg11 : memref<8x128xf32, #tpu.memory_space<vmem>>) target(%dma_start3A_151 : memref<8x128xf32, #tpu.memory_space<vmem_shared>>) target_semaphore(%arg17 : memref<!tpu.dma_semaphore, #tpu.memory_space<semaphore_mem>>)
      %while3A_152 = arith.constant 0 : i32
      scf.yield %while3A_152 : i32
    }
    %while3A_38 = arith.constant 0 : i32
    %while3A_39 = arith.constant 0 : i32
    %while3A_40 = arith.subi %select_n3A, %while3A_38 : i32
    %while3A_41 = arith.addi %while3A_38, %while3A_40 : i32
    %while3A_42 = arith.constant 1 : i32
    %while3A_43 = arith.divsi %while3A_40, %while3A_42 : i32
    %while3A_44 = arith.muli %while3A_43, %while3A_42 : i32
    %while3A_45 = arith.addi %while3A_38, %while3A_44 : i32
    %while3A_46 = arith.constant 1 : i32
    %while3A_47 = scf.for %while3A_143 = %while3A_38 to %while3A_45 step %while3A_46 iter_args(%while3A_144 = %while3A_39) -> (i32)  : i32 {
      %dma_wait3A_145 = arith.constant 0 : i32
      %dma_wait3A_146 = tpu.memref_slice %arg12[%add3A, %dma_wait3A_145] : memref<10512x128xf32, #tpu.memory_space<vmem_shared>> -> memref<8x128xf32, #tpu.memory_space<vmem_shared>>
      %dma_wait3A_147 = arith.constant 0 : i32
      %dma_wait3A_148 = tpu.memref_slice %arg12[%add3A, %dma_wait3A_147] : memref<10512x128xf32, #tpu.memory_space<vmem_shared>> -> memref<8x128xf32, #tpu.memory_space<vmem_shared>>
      tpu.wait_dma2 semaphore(%arg17 : memref<!tpu.dma_semaphore, #tpu.memory_space<semaphore_mem>>) src(%arg11 : memref<8x128xf32, #tpu.memory_space<vmem>>) dst(%dma_wait3A_148 : memref<8x128xf32, #tpu.memory_space<vmem_shared>>)
      %while3A_149 = arith.constant 0 : i32
      scf.yield %while3A_149 : i32
    }
    %while3A_48 = arith.constant 1 : i32
    %while3A_49 = scf.for %while3A_143 = %while3A_45 to %while3A_41 step %while3A_48 iter_args(%while3A_144 = %while3A_47) -> (i32)  : i32 {
      %dma_wait3A_145 = arith.constant 0 : i32
      %dma_wait3A_146 = tpu.memref_slice %arg12[%add3A, %dma_wait3A_145] : memref<10512x128xf32, #tpu.memory_space<vmem_shared>> -> memref<8x128xf32, #tpu.memory_space<vmem_shared>>
      %dma_wait3A_147 = arith.constant 0 : i32
      %dma_wait3A_148 = tpu.memref_slice %arg12[%add3A, %dma_wait3A_147] : memref<10512x128xf32, #tpu.memory_space<vmem_shared>> -> memref<8x128xf32, #tpu.memory_space<vmem_shared>>
      tpu.wait_dma2 semaphore(%arg17 : memref<!tpu.dma_semaphore, #tpu.memory_space<semaphore_mem>>) src(%arg11 : memref<8x128xf32, #tpu.memory_space<vmem>>) dst(%dma_wait3A_148 : memref<8x128xf32, #tpu.memory_space<vmem_shared>>)
      %while3A_149 = arith.constant 0 : i32
      scf.yield %while3A_149 : i32
    }
    %barrier3A = arith.constant 0 : index
    tpu.barrier barrier_id(%barrier3A)
    %scan3A_50 = arith.constant 0 : i32
    %scan3A_51 = arith.constant 0 : i32
    %scan3A_52 = arith.constant 8 : i32
    %scan3A_53 = arith.addi %scan3A_51, %scan3A_52 : i32
    %scan3A_54 = arith.constant 1 : i32
    %scan3A_55 = scf.for %scan3A_143 = %scan3A_51 to %scan3A_53 step %scan3A_54 iter_args(%scan3A_144 = %scan3A_50) -> (i32)  : i32 {
      %mul3A_145 = arith.constant 16 : i32
      %mul3A_146 = arith.muli %scan3A_143, %mul3A_145 : i32
      %get3A = arith.constant 0 : i32
      %get3A_147 = arith.constant 0 : i32
      %get3A_148 = arith.index_cast %get3A : i32 to index
      %get3A_149 = arith.index_cast %get3A_147 : i32 to index
      %get3A_150 = arith.index_cast %mul3A_146 : i32 to index
      %get3A_151 = tpu.vector_load %arg6[%get3A_148, %get3A_149, %get3A_150] {strides = array<i32>} : memref<84x1x128xi32, #tpu.memory_space<vmem>>, vector<1x1x16xi32>,
      %get3A_152 = vector.shape_cast %get3A_151 : vector<1x1x16xi32> to vector<16xi32>
      %and3A = arith.constant 16383 : i32
      %and3A_153 = vector.broadcast %and3A : i32 to vector<16xi32>
      %and3A_154 = arith.andi %get3A_152, %and3A_153 : vector<16xi32>
      %add3A_155 = vector.broadcast %mul3A_12 : i32 to vector<16xi32>
      %add3A_156 = arith.addi %and3A_154, %add3A_155 : vector<16xi32>
      %swap3A = arith.constant 0 : i32
      %swap3A_157 = arith.constant 0 : i32
      %swap3A_158 = arith.index_cast %swap3A : i32 to index
      %swap3A_159 = arith.index_cast %swap3A_157 : i32 to index
      %swap3A_160 = arith.index_cast %mul3A_146 : i32 to index
      %swap3A_161 = tpu.vector_load %arg7[%swap3A_158, %swap3A_159, %swap3A_160] {strides = array<i32>} : memref<2x1x128xi32, #tpu.memory_space<vmem>>, vector<1x1x16xi32>,
      %swap3A_162 = vector.shape_cast %swap3A_161 : vector<1x1x16xi32> to vector<16xi32>
      %swap3A_163 = vector.shape_cast %add3A_156 : vector<16xi32> to vector<1x1x16xi32>
      tpu.vector_store %arg7[%swap3A_158, %swap3A_159, %swap3A_160], %swap3A_163 {strides = array<i32>} : memref<2x1x128xi32, #tpu.memory_space<vmem>>, vector<1x1x16xi32>,
      %shift_right_logical3A = arith.constant 14 : i32
      %shift_right_logical3A_164 = vector.broadcast %shift_right_logical3A : i32 to vector<16xi32>
      %shift_right_logical3A_165 = arith.shrui %get3A_152, %shift_right_logical3A_164 : vector<16xi32>
      %swap3A_166 = arith.constant 0 : i32
      %swap3A_167 = arith.constant 0 : i32
      %swap3A_168 = arith.index_cast %swap3A_166 : i32 to index
      %swap3A_169 = arith.index_cast %swap3A_167 : i32 to index
      %swap3A_170 = arith.index_cast %mul3A_146 : i32 to index
      %swap3A_171 = tpu.vector_load %arg8[%swap3A_168, %swap3A_169, %swap3A_170] {strides = array<i32>} : memref<2x1x128xi32, #tpu.memory_space<vmem>>, vector<1x1x16xi32>,
      %swap3A_172 = vector.shape_cast %swap3A_171 : vector<1x1x16xi32> to vector<16xi32>
      %swap3A_173 = vector.shape_cast %shift_right_logical3A_165 : vector<16xi32> to vector<1x1x16xi32>
      tpu.vector_store %arg8[%swap3A_168, %swap3A_169, %swap3A_170], %swap3A_173 {strides = array<i32>} : memref<2x1x128xi32, #tpu.memory_space<vmem>>, vector<1x1x16xi32>,
      %scan3A_174 = arith.constant 0 : i32
      scf.yield %scan3A_174 : i32
    }
    %scan3A_56 = arith.constant 8 : i32
    %dma_start3A = arith.constant 0 : i32
    %dma_start3A_57 = arith.constant 0 : i32
    %dma_start3A_58 = arith.constant 0 : i32
    %dma_start3A_59 = tpu.memref_slice %arg7[%dma_start3A, %dma_start3A_57, %dma_start3A_58] : memref<2x1x128xi32, #tpu.memory_space<vmem>> -> memref<1x1x128xi32, #tpu.memory_space<vmem>>
    %dma_start3A_60 = tpu.memref_squeeze %dma_start3A_59 : memref<1x1x128xi32, #tpu.memory_space<vmem>> -> memref<128xi32, #tpu.memory_space<vmem>>
    %dma_start3A_61 = arith.constant 0 : i32
    %dma_start3A_62 = arith.constant 0 : i32
    %dma_start3A_63 = tpu.memref_slice %arg2[%dma_start3A_61, %dma_start3A_62] : memref<20000x128xf32, #tpu.memory_space<hbm>> -> memref<20000x128xf32, #tpu.memory_space<hbm>>
    tpu.enqueue_indirect_dma source(%dma_start3A_63 : memref<20000x128xf32, #tpu.memory_space<hbm>>) target(%arg9 : memref<128x128xf32, #tpu.memory_space<vmem>>) offsets(%dma_start3A_60 : memref<128xi32, #tpu.memory_space<vmem>>) semaphore(%arg13 : memref<!tpu.dma_semaphore, #tpu.memory_space<semaphore_mem>>)
    %scan3A_64 = arith.constant 0 : i32
    %scan3A_65 = arith.constant 0 : i32
    %scan3A_66 = arith.constant 8 : i32
    %scan3A_67 = arith.addi %scan3A_65, %scan3A_66 : i32
    %scan3A_68 = arith.constant 1 : i32
    %scan3A_69 = scf.for %scan3A_143 = %scan3A_65 to %scan3A_67 step %scan3A_68 iter_args(%scan3A_144 = %scan3A_64) -> (i32)  : i32 {
      %mul3A_145 = arith.constant 16 : i32
      %mul3A_146 = arith.muli %scan3A_143, %mul3A_145 : i32
      %get3A = arith.constant 1 : i32
      %get3A_147 = arith.constant 0 : i32
      %get3A_148 = arith.index_cast %get3A : i32 to index
      %get3A_149 = arith.index_cast %get3A_147 : i32 to index
      %get3A_150 = arith.index_cast %mul3A_146 : i32 to index
      %get3A_151 = tpu.vector_load %arg6[%get3A_148, %get3A_149, %get3A_150] {strides = array<i32>} : memref<84x1x128xi32, #tpu.memory_space<vmem>>, vector<1x1x16xi32>,
      %get3A_152 = vector.shape_cast %get3A_151 : vector<1x1x16xi32> to vector<16xi32>
      %and3A = arith.constant 16383 : i32
      %and3A_153 = vector.broadcast %and3A : i32 to vector<16xi32>
      %and3A_154 = arith.andi %get3A_152, %and3A_153 : vector<16xi32>
      %add3A_155 = vector.broadcast %mul3A_12 : i32 to vector<16xi32>
      %add3A_156 = arith.addi %and3A_154, %add3A_155 : vector<16xi32>
      %swap3A = arith.constant 1 : i32
      %swap3A_157 = arith.constant 0 : i32
      %swap3A_158 = arith.index_cast %swap3A : i32 to index
      %swap3A_159 = arith.index_cast %swap3A_157 : i32 to index
      %swap3A_160 = arith.index_cast %mul3A_146 : i32 to index
      %swap3A_161 = tpu.vector_load %arg7[%swap3A_158, %swap3A_159, %swap3A_160] {strides = array<i32>} : memref<2x1x128xi32, #tpu.memory_space<vmem>>, vector<1x1x16xi32>,
      %swap3A_162 = vector.shape_cast %swap3A_161 : vector<1x1x16xi32> to vector<16xi32>
      %swap3A_163 = vector.shape_cast %add3A_156 : vector<16xi32> to vector<1x1x16xi32>
      tpu.vector_store %arg7[%swap3A_158, %swap3A_159, %swap3A_160], %swap3A_163 {strides = array<i32>} : memref<2x1x128xi32, #tpu.memory_space<vmem>>, vector<1x1x16xi32>,
      %shift_right_logical3A = arith.constant 14 : i32
      %shift_right_logical3A_164 = vector.broadcast %shift_right_logical3A : i32 to vector<16xi32>
      %shift_right_logical3A_165 = arith.shrui %get3A_152, %shift_right_logical3A_164 : vector<16xi32>
      %swap3A_166 = arith.constant 1 : i32
      %swap3A_167 = arith.constant 0 : i32
      %swap3A_168 = arith.index_cast %swap3A_166 : i32 to index
      %swap3A_169 = arith.index_cast %swap3A_167 : i32 to index
      %swap3A_170 = arith.index_cast %mul3A_146 : i32 to index
      %swap3A_171 = tpu.vector_load %arg8[%swap3A_168, %swap3A_169, %swap3A_170] {strides = array<i32>} : memref<2x1x128xi32, #tpu.memory_space<vmem>>, vector<1x1x16xi32>,
      %swap3A_172 = vector.shape_cast %swap3A_171 : vector<1x1x16xi32> to vector<16xi32>
      %swap3A_173 = vector.shape_cast %shift_right_logical3A_165 : vector<16xi32> to vector<1x1x16xi32>
      tpu.vector_store %arg8[%swap3A_168, %swap3A_169, %swap3A_170], %swap3A_173 {strides = array<i32>} : memref<2x1x128xi32, #tpu.memory_space<vmem>>, vector<1x1x16xi32>,
      %scan3A_174 = arith.constant 0 : i32
      scf.yield %scan3A_174 : i32
    }
    %scan3A_70 = arith.constant 8 : i32
    %dma_start3A_71 = arith.constant 1 : i32
    %dma_start3A_72 = arith.constant 0 : i32
    %dma_start3A_73 = arith.constant 0 : i32
    %dma_start3A_74 = tpu.memref_slice %arg7[%dma_start3A_71, %dma_start3A_72, %dma_start3A_73] : memref<2x1x128xi32, #tpu.memory_space<vmem>> -> memref<1x1x128xi32, #tpu.memory_space<vmem>>
    %dma_start3A_75 = tpu.memref_squeeze %dma_start3A_74 : memref<1x1x128xi32, #tpu.memory_space<vmem>> -> memref<128xi32, #tpu.memory_space<vmem>>
    %dma_start3A_76 = arith.constant 0 : i32
    %dma_start3A_77 = arith.constant 0 : i32
    %dma_start3A_78 = tpu.memref_slice %arg2[%dma_start3A_76, %dma_start3A_77] : memref<20000x128xf32, #tpu.memory_space<hbm>> -> memref<20000x128xf32, #tpu.memory_space<hbm>>
    tpu.enqueue_indirect_dma source(%dma_start3A_78 : memref<20000x128xf32, #tpu.memory_space<hbm>>) target(%arg10 : memref<128x128xf32, #tpu.memory_space<vmem>>) offsets(%dma_start3A_75 : memref<128xi32, #tpu.memory_space<vmem>>) semaphore(%arg14 : memref<!tpu.dma_semaphore, #tpu.memory_space<semaphore_mem>>)
    %dma_wait3A = arith.constant 0 : i32
    %dma_wait3A_79 = arith.constant 0 : i32
    %dma_wait3A_80 = arith.constant 0 : i32
    %dma_wait3A_81 = tpu.memref_slice %arg7[%dma_wait3A, %dma_wait3A_79, %dma_wait3A_80] : memref<2x1x128xi32, #tpu.memory_space<vmem>> -> memref<1x1x128xi32, #tpu.memory_space<vmem>>
    %dma_wait3A_82 = tpu.memref_squeeze %dma_wait3A_81 : memref<1x1x128xi32, #tpu.memory_space<vmem>> -> memref<128xi32, #tpu.memory_space<vmem>>
    %dma_wait3A_83 = arith.constant 0 : i32
    %dma_wait3A_84 = arith.constant 0 : i32
    %dma_wait3A_85 = tpu.memref_slice %arg2[%dma_wait3A_83, %dma_wait3A_84] : memref<20000x128xf32, #tpu.memory_space<hbm>> -> memref<20000x128xf32, #tpu.memory_space<hbm>>
    tpu.wait_indirect_dma semaphore(%arg13 : memref<!tpu.dma_semaphore, #tpu.memory_space<semaphore_mem>>) src(%dma_wait3A_85 : memref<20000x128xf32, #tpu.memory_space<hbm>>) dst(%arg9 : memref<128x128xf32, #tpu.memory_space<vmem>>)
    %dma_start3A_86 = arith.constant 0 : i32
    %dma_start3A_87 = arith.constant 0 : i32
    %dma_start3A_88 = arith.constant 0 : i32
    %dma_start3A_89 = tpu.memref_slice %arg8[%dma_start3A_86, %dma_start3A_87, %dma_start3A_88] : memref<2x1x128xi32, #tpu.memory_space<vmem>> -> memref<1x1x128xi32, #tpu.memory_space<vmem>>
    %dma_start3A_90 = tpu.memref_squeeze %dma_start3A_89 : memref<1x1x128xi32, #tpu.memory_space<vmem>> -> memref<128xi32, #tpu.memory_space<vmem>>
    %dma_start3A_91 = arith.constant 0 : i32
    %dma_start3A_92 = arith.constant 0 : i32
    %dma_start3A_93 = tpu.memref_slice %arg12[%dma_start3A_91, %dma_start3A_92] : memref<10512x128xf32, #tpu.memory_space<vmem_shared>> -> memref<10512x128xf32, #tpu.memory_space<vmem_shared>>
    tpu.enqueue_indirect_dma source(%arg9 : memref<128x128xf32, #tpu.memory_space<vmem>>) target(%dma_start3A_93 : memref<10512x128xf32, #tpu.memory_space<vmem_shared>>) offsets(%dma_start3A_90 : memref<128xi32, #tpu.memory_space<vmem>>) semaphore(%arg15 : memref<!tpu.dma_semaphore, #tpu.memory_space<semaphore_mem>>) {add = true}
    %scan3A_94 = arith.constant 0 : i32
    %scan3A_95 = arith.constant 1 : i32
    %scan3A_96 = arith.constant 41 : i32
    %scan3A_97 = arith.addi %scan3A_95, %scan3A_96 : i32
    %scan3A_98 = arith.constant 1 : i32
    %scan3A_99 = scf.for %scan3A_143 = %scan3A_95 to %scan3A_97 step %scan3A_98 iter_args(%scan3A_144 = %scan3A_94) -> (i32)  : i32 {
      %mul3A_145 = arith.constant 2 : i32
      %mul3A_146 = arith.muli %scan3A_143, %mul3A_145 : i32
      %add3A_147 = arith.constant 0 : i32
      %add3A_148 = arith.addi %mul3A_146, %add3A_147 : i32
      %dma_wait3A_149 = arith.constant 0 : i32
      %dma_wait3A_150 = arith.constant 0 : i32
      %dma_wait3A_151 = arith.constant 0 : i32
      %dma_wait3A_152 = tpu.memref_slice %arg8[%dma_wait3A_149, %dma_wait3A_150, %dma_wait3A_151] : memref<2x1x128xi32, #tpu.memory_space<vmem>> -> memref<1x1x128xi32, #tpu.memory_space<vmem>>
      %dma_wait3A_153 = tpu.memref_squeeze %dma_wait3A_152 : memref<1x1x128xi32, #tpu.memory_space<vmem>> -> memref<128xi32, #tpu.memory_space<vmem>>
      %dma_wait3A_154 = arith.constant 0 : i32
      %dma_wait3A_155 = arith.constant 0 : i32
      %dma_wait3A_156 = tpu.memref_slice %arg12[%dma_wait3A_154, %dma_wait3A_155] : memref<10512x128xf32, #tpu.memory_space<vmem_shared>> -> memref<10512x128xf32, #tpu.memory_space<vmem_shared>>
      tpu.wait_indirect_dma semaphore(%arg15 : memref<!tpu.dma_semaphore, #tpu.memory_space<semaphore_mem>>) src(%arg9 : memref<128x128xf32, #tpu.memory_space<vmem>>) dst(%dma_wait3A_156 : memref<10512x128xf32, #tpu.memory_space<vmem_shared>>)
      %scan3A_157 = arith.constant 0 : i32
      %scan3A_158 = arith.constant 0 : i32
      %scan3A_159 = arith.constant 8 : i32
      %scan3A_160 = arith.addi %scan3A_158, %scan3A_159 : i32
      %scan3A_161 = arith.constant 1 : i32
      %scan3A_162 = scf.for %scan3A_232 = %scan3A_158 to %scan3A_160 step %scan3A_161 iter_args(%scan3A_233 = %scan3A_157) -> (i32)  : i32 {
        %mul3A_234 = arith.constant 16 : i32
        %mul3A_235 = arith.muli %scan3A_232, %mul3A_234 : i32
        %get3A = arith.constant 0 : i32
        %get3A_236 = arith.index_cast %add3A_148 : i32 to index
        %get3A_237 = arith.index_cast %get3A : i32 to index
        %get3A_238 = arith.index_cast %mul3A_235 : i32 to index
        %get3A_239 = tpu.vector_load %arg6[%get3A_236, %get3A_237, %get3A_238] {strides = array<i32>} : memref<84x1x128xi32, #tpu.memory_space<vmem>>, vector<1x1x16xi32>,
        %get3A_240 = vector.shape_cast %get3A_239 : vector<1x1x16xi32> to vector<16xi32>
        %and3A = arith.constant 16383 : i32
        %and3A_241 = vector.broadcast %and3A : i32 to vector<16xi32>
        %and3A_242 = arith.andi %get3A_240, %and3A_241 : vector<16xi32>
        %add3A_243 = vector.broadcast %mul3A_12 : i32 to vector<16xi32>
        %add3A_244 = arith.addi %and3A_242, %add3A_243 : vector<16xi32>
        %swap3A = arith.constant 0 : i32
        %swap3A_245 = arith.constant 0 : i32
        %swap3A_246 = arith.index_cast %swap3A : i32 to index
        %swap3A_247 = arith.index_cast %swap3A_245 : i32 to index
        %swap3A_248 = arith.index_cast %mul3A_235 : i32 to index
        %swap3A_249 = tpu.vector_load %arg7[%swap3A_246, %swap3A_247, %swap3A_248] {strides = array<i32>} : memref<2x1x128xi32, #tpu.memory_space<vmem>>, vector<1x1x16xi32>,
        %swap3A_250 = vector.shape_cast %swap3A_249 : vector<1x1x16xi32> to vector<16xi32>
        %swap3A_251 = vector.shape_cast %add3A_244 : vector<16xi32> to vector<1x1x16xi32>
        tpu.vector_store %arg7[%swap3A_246, %swap3A_247, %swap3A_248], %swap3A_251 {strides = array<i32>} : memref<2x1x128xi32, #tpu.memory_space<vmem>>, vector<1x1x16xi32>,
        %shift_right_logical3A = arith.constant 14 : i32
        %shift_right_logical3A_252 = vector.broadcast %shift_right_logical3A : i32 to vector<16xi32>
        %shift_right_logical3A_253 = arith.shrui %get3A_240, %shift_right_logical3A_252 : vector<16xi32>
        %swap3A_254 = arith.constant 0 : i32
        %swap3A_255 = arith.constant 0 : i32
        %swap3A_256 = arith.index_cast %swap3A_254 : i32 to index
        %swap3A_257 = arith.index_cast %swap3A_255 : i32 to index
        %swap3A_258 = arith.index_cast %mul3A_235 : i32 to index
        %swap3A_259 = tpu.vector_load %arg8[%swap3A_256, %swap3A_257, %swap3A_258] {strides = array<i32>} : memref<2x1x128xi32, #tpu.memory_space<vmem>>, vector<1x1x16xi32>,
        %swap3A_260 = vector.shape_cast %swap3A_259 : vector<1x1x16xi32> to vector<16xi32>
        %swap3A_261 = vector.shape_cast %shift_right_logical3A_253 : vector<16xi32> to vector<1x1x16xi32>
        tpu.vector_store %arg8[%swap3A_256, %swap3A_257, %swap3A_258], %swap3A_261 {strides = array<i32>} : memref<2x1x128xi32, #tpu.memory_space<vmem>>, vector<1x1x16xi32>,
        %scan3A_262 = arith.constant 0 : i32
        scf.yield %scan3A_262 : i32
      }
      %scan3A_163 = arith.constant 8 : i32
      %dma_start3A_164 = arith.constant 0 : i32
      %dma_start3A_165 = arith.constant 0 : i32
      %dma_start3A_166 = arith.constant 0 : i32
      %dma_start3A_167 = tpu.memref_slice %arg7[%dma_start3A_164, %dma_start3A_165, %dma_start3A_166] : memref<2x1x128xi32, #tpu.memory_space<vmem>> -> memref<1x1x128xi32, #tpu.memory_space<vmem>>
      %dma_start3A_168 = tpu.memref_squeeze %dma_start3A_167 : memref<1x1x128xi32, #tpu.memory_space<vmem>> -> memref<128xi32, #tpu.memory_space<vmem>>
      %dma_start3A_169 = arith.constant 0 : i32
      %dma_start3A_170 = arith.constant 0 : i32
      %dma_start3A_171 = tpu.memref_slice %arg2[%dma_start3A_169, %dma_start3A_170] : memref<20000x128xf32, #tpu.memory_space<hbm>> -> memref<20000x128xf32, #tpu.memory_space<hbm>>
      tpu.enqueue_indirect_dma source(%dma_start3A_171 : memref<20000x128xf32, #tpu.memory_space<hbm>>) target(%arg9 : memref<128x128xf32, #tpu.memory_space<vmem>>) offsets(%dma_start3A_168 : memref<128xi32, #tpu.memory_space<vmem>>) semaphore(%arg13 : memref<!tpu.dma_semaphore, #tpu.memory_space<semaphore_mem>>)
      %dma_wait3A_172 = arith.constant 1 : i32
      %dma_wait3A_173 = arith.constant 0 : i32
      %dma_wait3A_174 = arith.constant 0 : i32
      %dma_wait3A_175 = tpu.memref_slice %arg7[%dma_wait3A_172, %dma_wait3A_173, %dma_wait3A_174] : memref<2x1x128xi32, #tpu.memory_space<vmem>> -> memref<1x1x128xi32, #tpu.memory_space<vmem>>
      %dma_wait3A_176 = tpu.memref_squeeze %dma_wait3A_175 : memref<1x1x128xi32, #tpu.memory_space<vmem>> -> memref<128xi32, #tpu.memory_space<vmem>>
      %dma_wait3A_177 = arith.constant 0 : i32
      %dma_wait3A_178 = arith.constant 0 : i32
      %dma_wait3A_179 = tpu.memref_slice %arg2[%dma_wait3A_177, %dma_wait3A_178] : memref<20000x128xf32, #tpu.memory_space<hbm>> -> memref<20000x128xf32, #tpu.memory_space<hbm>>
      tpu.wait_indirect_dma semaphore(%arg14 : memref<!tpu.dma_semaphore, #tpu.memory_space<semaphore_mem>>) src(%dma_wait3A_179 : memref<20000x128xf32, #tpu.memory_space<hbm>>) dst(%arg10 : memref<128x128xf32, #tpu.memory_space<vmem>>)
      %dma_start3A_180 = arith.constant 1 : i32
      %dma_start3A_181 = arith.constant 0 : i32
      %dma_start3A_182 = arith.constant 0 : i32
      %dma_start3A_183 = tpu.memref_slice %arg8[%dma_start3A_180, %dma_start3A_181, %dma_start3A_182] : memref<2x1x128xi32, #tpu.memory_space<vmem>> -> memref<1x1x128xi32, #tpu.memory_space<vmem>>
      %dma_start3A_184 = tpu.memref_squeeze %dma_start3A_183 : memref<1x1x128xi32, #tpu.memory_space<vmem>> -> memref<128xi32, #tpu.memory_space<vmem>>
      %dma_start3A_185 = arith.constant 0 : i32
      %dma_start3A_186 = arith.constant 0 : i32
      %dma_start3A_187 = tpu.memref_slice %arg12[%dma_start3A_185, %dma_start3A_186] : memref<10512x128xf32, #tpu.memory_space<vmem_shared>> -> memref<10512x128xf32, #tpu.memory_space<vmem_shared>>
      tpu.enqueue_indirect_dma source(%arg10 : memref<128x128xf32, #tpu.memory_space<vmem>>) target(%dma_start3A_187 : memref<10512x128xf32, #tpu.memory_space<vmem_shared>>) offsets(%dma_start3A_184 : memref<128xi32, #tpu.memory_space<vmem>>) semaphore(%arg16 : memref<!tpu.dma_semaphore, #tpu.memory_space<semaphore_mem>>) {add = true}
      %mul3A_188 = arith.constant 2 : i32
      %mul3A_189 = arith.muli %scan3A_143, %mul3A_188 : i32
      %add3A_190 = arith.constant 1 : i32
      %add3A_191 = arith.addi %mul3A_189, %add3A_190 : i32
      %dma_wait3A_192 = arith.constant 1 : i32
      %dma_wait3A_193 = arith.constant 0 : i32
      %dma_wait3A_194 = arith.constant 0 : i32
      %dma_wait3A_195 = tpu.memref_slice %arg8[%dma_wait3A_192, %dma_wait3A_193, %dma_wait3A_194] : memref<2x1x128xi32, #tpu.memory_space<vmem>> -> memref<1x1x128xi32, #tpu.memory_space<vmem>>
      %dma_wait3A_196 = tpu.memref_squeeze %dma_wait3A_195 : memref<1x1x128xi32, #tpu.memory_space<vmem>> -> memref<128xi32, #tpu.memory_space<vmem>>
      %dma_wait3A_197 = arith.constant 0 : i32
      %dma_wait3A_198 = arith.constant 0 : i32
      %dma_wait3A_199 = tpu.memref_slice %arg12[%dma_wait3A_197, %dma_wait3A_198] : memref<10512x128xf32, #tpu.memory_space<vmem_shared>> -> memref<10512x128xf32, #tpu.memory_space<vmem_shared>>
      tpu.wait_indirect_dma semaphore(%arg16 : memref<!tpu.dma_semaphore, #tpu.memory_space<semaphore_mem>>) src(%arg10 : memref<128x128xf32, #tpu.memory_space<vmem>>) dst(%dma_wait3A_199 : memref<10512x128xf32, #tpu.memory_space<vmem_shared>>)
      %scan3A_200 = arith.constant 0 : i32
      %scan3A_201 = arith.constant 0 : i32
      %scan3A_202 = arith.constant 8 : i32
      %scan3A_203 = arith.addi %scan3A_201, %scan3A_202 : i32
      %scan3A_204 = arith.constant 1 : i32
      %scan3A_205 = scf.for %scan3A_232 = %scan3A_201 to %scan3A_203 step %scan3A_204 iter_args(%scan3A_233 = %scan3A_200) -> (i32)  : i32 {
        %mul3A_234 = arith.constant 16 : i32
        %mul3A_235 = arith.muli %scan3A_232, %mul3A_234 : i32
        %get3A = arith.constant 0 : i32
        %get3A_236 = arith.index_cast %add3A_191 : i32 to index
        %get3A_237 = arith.index_cast %get3A : i32 to index
        %get3A_238 = arith.index_cast %mul3A_235 : i32 to index
        %get3A_239 = tpu.vector_load %arg6[%get3A_236, %get3A_237, %get3A_238] {strides = array<i32>} : memref<84x1x128xi32, #tpu.memory_space<vmem>>, vector<1x1x16xi32>,
        %get3A_240 = vector.shape_cast %get3A_239 : vector<1x1x16xi32> to vector<16xi32>
        %and3A = arith.constant 16383 : i32
        %and3A_241 = vector.broadcast %and3A : i32 to vector<16xi32>
        %and3A_242 = arith.andi %get3A_240, %and3A_241 : vector<16xi32>
        %add3A_243 = vector.broadcast %mul3A_12 : i32 to vector<16xi32>
        %add3A_244 = arith.addi %and3A_242, %add3A_243 : vector<16xi32>
        %swap3A = arith.constant 1 : i32
        %swap3A_245 = arith.constant 0 : i32
        %swap3A_246 = arith.index_cast %swap3A : i32 to index
        %swap3A_247 = arith.index_cast %swap3A_245 : i32 to index
        %swap3A_248 = arith.index_cast %mul3A_235 : i32 to index
        %swap3A_249 = tpu.vector_load %arg7[%swap3A_246, %swap3A_247, %swap3A_248] {strides = array<i32>} : memref<2x1x128xi32, #tpu.memory_space<vmem>>, vector<1x1x16xi32>,
        %swap3A_250 = vector.shape_cast %swap3A_249 : vector<1x1x16xi32> to vector<16xi32>
        %swap3A_251 = vector.shape_cast %add3A_244 : vector<16xi32> to vector<1x1x16xi32>
        tpu.vector_store %arg7[%swap3A_246, %swap3A_247, %swap3A_248], %swap3A_251 {strides = array<i32>} : memref<2x1x128xi32, #tpu.memory_space<vmem>>, vector<1x1x16xi32>,
        %shift_right_logical3A = arith.constant 14 : i32
        %shift_right_logical3A_252 = vector.broadcast %shift_right_logical3A : i32 to vector<16xi32>
        %shift_right_logical3A_253 = arith.shrui %get3A_240, %shift_right_logical3A_252 : vector<16xi32>
        %swap3A_254 = arith.constant 1 : i32
        %swap3A_255 = arith.constant 0 : i32
        %swap3A_256 = arith.index_cast %swap3A_254 : i32 to index
        %swap3A_257 = arith.index_cast %swap3A_255 : i32 to index
        %swap3A_258 = arith.index_cast %mul3A_235 : i32 to index
        %swap3A_259 = tpu.vector_load %arg8[%swap3A_256, %swap3A_257, %swap3A_258] {strides = array<i32>} : memref<2x1x128xi32, #tpu.memory_space<vmem>>, vector<1x1x16xi32>,
        %swap3A_260 = vector.shape_cast %swap3A_259 : vector<1x1x16xi32> to vector<16xi32>
        %swap3A_261 = vector.shape_cast %shift_right_logical3A_253 : vector<16xi32> to vector<1x1x16xi32>
        tpu.vector_store %arg8[%swap3A_256, %swap3A_257, %swap3A_258], %swap3A_261 {strides = array<i32>} : memref<2x1x128xi32, #tpu.memory_space<vmem>>, vector<1x1x16xi32>,
        %scan3A_262 = arith.constant 0 : i32
        scf.yield %scan3A_262 : i32
      }
      %scan3A_206 = arith.constant 8 : i32
      %dma_start3A_207 = arith.constant 1 : i32
      %dma_start3A_208 = arith.constant 0 : i32
      %dma_start3A_209 = arith.constant 0 : i32
      %dma_start3A_210 = tpu.memref_slice %arg7[%dma_start3A_207, %dma_start3A_208, %dma_start3A_209] : memref<2x1x128xi32, #tpu.memory_space<vmem>> -> memref<1x1x128xi32, #tpu.memory_space<vmem>>
      %dma_start3A_211 = tpu.memref_squeeze %dma_start3A_210 : memref<1x1x128xi32, #tpu.memory_space<vmem>> -> memref<128xi32, #tpu.memory_space<vmem>>
      %dma_start3A_212 = arith.constant 0 : i32
      %dma_start3A_213 = arith.constant 0 : i32
      %dma_start3A_214 = tpu.memref_slice %arg2[%dma_start3A_212, %dma_start3A_213] : memref<20000x128xf32, #tpu.memory_space<hbm>> -> memref<20000x128xf32, #tpu.memory_space<hbm>>
      tpu.enqueue_indirect_dma source(%dma_start3A_214 : memref<20000x128xf32, #tpu.memory_space<hbm>>) target(%arg10 : memref<128x128xf32, #tpu.memory_space<vmem>>) offsets(%dma_start3A_211 : memref<128xi32, #tpu.memory_space<vmem>>) semaphore(%arg14 : memref<!tpu.dma_semaphore, #tpu.memory_space<semaphore_mem>>)
      %dma_wait3A_215 = arith.constant 0 : i32
      %dma_wait3A_216 = arith.constant 0 : i32
      %dma_wait3A_217 = arith.constant 0 : i32
      %dma_wait3A_218 = tpu.memref_slice %arg7[%dma_wait3A_215, %dma_wait3A_216, %dma_wait3A_217] : memref<2x1x128xi32, #tpu.memory_space<vmem>> -> memref<1x1x128xi32, #tpu.memory_space<vmem>>
      %dma_wait3A_219 = tpu.memref_squeeze %dma_wait3A_218 : memref<1x1x128xi32, #tpu.memory_space<vmem>> -> memref<128xi32, #tpu.memory_space<vmem>>
      %dma_wait3A_220 = arith.constant 0 : i32
      %dma_wait3A_221 = arith.constant 0 : i32
      %dma_wait3A_222 = tpu.memref_slice %arg2[%dma_wait3A_220, %dma_wait3A_221] : memref<20000x128xf32, #tpu.memory_space<hbm>> -> memref<20000x128xf32, #tpu.memory_space<hbm>>
      tpu.wait_indirect_dma semaphore(%arg13 : memref<!tpu.dma_semaphore, #tpu.memory_space<semaphore_mem>>) src(%dma_wait3A_222 : memref<20000x128xf32, #tpu.memory_space<hbm>>) dst(%arg9 : memref<128x128xf32, #tpu.memory_space<vmem>>)
      %dma_start3A_223 = arith.constant 0 : i32
      %dma_start3A_224 = arith.constant 0 : i32
      %dma_start3A_225 = arith.constant 0 : i32
      %dma_start3A_226 = tpu.memref_slice %arg8[%dma_start3A_223, %dma_start3A_224, %dma_start3A_225] : memref<2x1x128xi32, #tpu.memory_space<vmem>> -> memref<1x1x128xi32, #tpu.memory_space<vmem>>
      %dma_start3A_227 = tpu.memref_squeeze %dma_start3A_226 : memref<1x1x128xi32, #tpu.memory_space<vmem>> -> memref<128xi32, #tpu.memory_space<vmem>>
      %dma_start3A_228 = arith.constant 0 : i32
      %dma_start3A_229 = arith.constant 0 : i32
      %dma_start3A_230 = tpu.memref_slice %arg12[%dma_start3A_228, %dma_start3A_229] : memref<10512x128xf32, #tpu.memory_space<vmem_shared>> -> memref<10512x128xf32, #tpu.memory_space<vmem_shared>>
      tpu.enqueue_indirect_dma source(%arg9 : memref<128x128xf32, #tpu.memory_space<vmem>>) target(%dma_start3A_230 : memref<10512x128xf32, #tpu.memory_space<vmem_shared>>) offsets(%dma_start3A_227 : memref<128xi32, #tpu.memory_space<vmem>>) semaphore(%arg15 : memref<!tpu.dma_semaphore, #tpu.memory_space<semaphore_mem>>) {add = true}
      %scan3A_231 = arith.constant 0 : i32
      scf.yield %scan3A_231 : i32
    }
    %scan3A_100 = arith.constant 41 : i32
    %dma_wait3A_101 = arith.constant 1 : i32
    %dma_wait3A_102 = arith.constant 0 : i32
    %dma_wait3A_103 = arith.constant 0 : i32
    %dma_wait3A_104 = tpu.memref_slice %arg7[%dma_wait3A_101, %dma_wait3A_102, %dma_wait3A_103] : memref<2x1x128xi32, #tpu.memory_space<vmem>> -> memref<1x1x128xi32, #tpu.memory_space<vmem>>
    %dma_wait3A_105 = tpu.memref_squeeze %dma_wait3A_104 : memref<1x1x128xi32, #tpu.memory_space<vmem>> -> memref<128xi32, #tpu.memory_space<vmem>>
    %dma_wait3A_106 = arith.constant 0 : i32
    %dma_wait3A_107 = arith.constant 0 : i32
    %dma_wait3A_108 = tpu.memref_slice %arg2[%dma_wait3A_106, %dma_wait3A_107] : memref<20000x128xf32, #tpu.memory_space<hbm>> -> memref<20000x128xf32, #tpu.memory_space<hbm>>
    tpu.wait_indirect_dma semaphore(%arg14 : memref<!tpu.dma_semaphore, #tpu.memory_space<semaphore_mem>>) src(%dma_wait3A_108 : memref<20000x128xf32, #tpu.memory_space<hbm>>) dst(%arg10 : memref<128x128xf32, #tpu.memory_space<vmem>>)
    %dma_start3A_109 = arith.constant 1 : i32
    %dma_start3A_110 = arith.constant 0 : i32
    %dma_start3A_111 = arith.constant 0 : i32
    %dma_start3A_112 = tpu.memref_slice %arg8[%dma_start3A_109, %dma_start3A_110, %dma_start3A_111] : memref<2x1x128xi32, #tpu.memory_space<vmem>> -> memref<1x1x128xi32, #tpu.memory_space<vmem>>
    %dma_start3A_113 = tpu.memref_squeeze %dma_start3A_112 : memref<1x1x128xi32, #tpu.memory_space<vmem>> -> memref<128xi32, #tpu.memory_space<vmem>>
    %dma_start3A_114 = arith.constant 0 : i32
    %dma_start3A_115 = arith.constant 0 : i32
    %dma_start3A_116 = tpu.memref_slice %arg12[%dma_start3A_114, %dma_start3A_115] : memref<10512x128xf32, #tpu.memory_space<vmem_shared>> -> memref<10512x128xf32, #tpu.memory_space<vmem_shared>>
    tpu.enqueue_indirect_dma source(%arg10 : memref<128x128xf32, #tpu.memory_space<vmem>>) target(%dma_start3A_116 : memref<10512x128xf32, #tpu.memory_space<vmem_shared>>) offsets(%dma_start3A_113 : memref<128xi32, #tpu.memory_space<vmem>>) semaphore(%arg16 : memref<!tpu.dma_semaphore, #tpu.memory_space<semaphore_mem>>) {add = true}
    %dma_wait3A_117 = arith.constant 0 : i32
    %dma_wait3A_118 = arith.constant 0 : i32
    %dma_wait3A_119 = arith.constant 0 : i32
    %dma_wait3A_120 = tpu.memref_slice %arg8[%dma_wait3A_117, %dma_wait3A_118, %dma_wait3A_119] : memref<2x1x128xi32, #tpu.memory_space<vmem>> -> memref<1x1x128xi32, #tpu.memory_space<vmem>>
    %dma_wait3A_121 = tpu.memref_squeeze %dma_wait3A_120 : memref<1x1x128xi32, #tpu.memory_space<vmem>> -> memref<128xi32, #tpu.memory_space<vmem>>
    %dma_wait3A_122 = arith.constant 0 : i32
    %dma_wait3A_123 = arith.constant 0 : i32
    %dma_wait3A_124 = tpu.memref_slice %arg12[%dma_wait3A_122, %dma_wait3A_123] : memref<10512x128xf32, #tpu.memory_space<vmem_shared>> -> memref<10512x128xf32, #tpu.memory_space<vmem_shared>>
    tpu.wait_indirect_dma semaphore(%arg15 : memref<!tpu.dma_semaphore, #tpu.memory_space<semaphore_mem>>) src(%arg9 : memref<128x128xf32, #tpu.memory_space<vmem>>) dst(%dma_wait3A_124 : memref<10512x128xf32, #tpu.memory_space<vmem_shared>>)
    %dma_wait3A_125 = arith.constant 1 : i32
    %dma_wait3A_126 = arith.constant 0 : i32
    %dma_wait3A_127 = arith.constant 0 : i32
    %dma_wait3A_128 = tpu.memref_slice %arg8[%dma_wait3A_125, %dma_wait3A_126, %dma_wait3A_127] : memref<2x1x128xi32, #tpu.memory_space<vmem>> -> memref<1x1x128xi32, #tpu.memory_space<vmem>>
    %dma_wait3A_129 = tpu.memref_squeeze %dma_wait3A_128 : memref<1x1x128xi32, #tpu.memory_space<vmem>> -> memref<128xi32, #tpu.memory_space<vmem>>
    %dma_wait3A_130 = arith.constant 0 : i32
    %dma_wait3A_131 = arith.constant 0 : i32
    %dma_wait3A_132 = tpu.memref_slice %arg12[%dma_wait3A_130, %dma_wait3A_131] : memref<10512x128xf32, #tpu.memory_space<vmem_shared>> -> memref<10512x128xf32, #tpu.memory_space<vmem_shared>>
    tpu.wait_indirect_dma semaphore(%arg16 : memref<!tpu.dma_semaphore, #tpu.memory_space<semaphore_mem>>) src(%arg10 : memref<128x128xf32, #tpu.memory_space<vmem>>) dst(%dma_wait3A_132 : memref<10512x128xf32, #tpu.memory_space<vmem_shared>>)
    %barrier3A_133 = arith.constant 0 : index
    tpu.barrier barrier_id(%barrier3A_133)
    %lt3A_134 = arith.constant 2 : i32
    %lt3A_135 = arith.cmpi slt, %arg1, %lt3A_134 : i32
    %convert_element_type3A_136 = arith.extui %lt3A_135 : i1 to i32
    %cond3A_137 = arith.constant 0 : i32
    %cond3A_138 = arith.cmpi ne, %convert_element_type3A_136, %cond3A_137 : i32
    scf.if %cond3A_138 {
      "tpu.region"() ({
        %run_scoped3A = tpu.sem_alloc : memref<!tpu.dma_semaphore, #tpu.memory_space<semaphore_mem>>
        %dma_start3A_143 = arith.constant 0 : i32
        %dma_start3A_144 = tpu.memref_slice %arg5[%arg0, %add3A, %dma_start3A_143] : memref<2x10000x128xf32, #tpu.memory_space<hbm>> -> memref<1x632x128xf32, #tpu.memory_space<hbm>>
        %dma_start3A_145 = tpu.memref_squeeze %dma_start3A_144 : memref<1x632x128xf32, #tpu.memory_space<hbm>> -> memref<632x128xf32, #tpu.memory_space<hbm>>
        %dma_start3A_146 = arith.constant 0 : i32
        %dma_start3A_147 = tpu.memref_slice %arg12[%add3A, %dma_start3A_146] : memref<10512x128xf32, #tpu.memory_space<vmem_shared>> -> memref<632x128xf32, #tpu.memory_space<vmem_shared>>
        tpu.enqueue_dma source(%dma_start3A_147 : memref<632x128xf32, #tpu.memory_space<vmem_shared>>) target(%dma_start3A_145 : memref<632x128xf32, #tpu.memory_space<hbm>>) target_semaphore(%run_scoped3A : memref<!tpu.dma_semaphore, #tpu.memory_space<semaphore_mem>>)
        %dma_wait3A_148 = arith.constant 0 : i32
        %dma_wait3A_149 = tpu.memref_slice %arg5[%arg0, %add3A, %dma_wait3A_148] : memref<2x10000x128xf32, #tpu.memory_space<hbm>> -> memref<1x632x128xf32, #tpu.memory_space<hbm>>
        %dma_wait3A_150 = tpu.memref_squeeze %dma_wait3A_149 : memref<1x632x128xf32, #tpu.memory_space<hbm>> -> memref<632x128xf32, #tpu.memory_space<hbm>>
        %dma_wait3A_151 = arith.constant 0 : i32
        %dma_wait3A_152 = tpu.memref_slice %arg12[%add3A, %dma_wait3A_151] : memref<10512x128xf32, #tpu.memory_space<vmem_shared>> -> memref<632x128xf32, #tpu.memory_space<vmem_shared>>
        tpu.wait_dma2 semaphore(%run_scoped3A : memref<!tpu.dma_semaphore, #tpu.memory_space<semaphore_mem>>) src(%dma_wait3A_152 : memref<632x128xf32, #tpu.memory_space<vmem_shared>>) dst(%dma_wait3A_150 : memref<632x128xf32, #tpu.memory_space<hbm>>)
        tpu.yield
      }) : () -> ()
    } else {
    }
    %ge3A = arith.constant 2 : i32
    %ge3A_139 = arith.cmpi sge, %arg1, %ge3A : i32
    %convert_element_type3A_140 = arith.extui %ge3A_139 : i1 to i32
    %cond3A_141 = arith.constant 0 : i32
    %cond3A_142 = arith.cmpi ne, %convert_element_type3A_140, %cond3A_141 : i32
    scf.if %cond3A_142 {
      "tpu.region"() ({
        %run_scoped3A = tpu.sem_alloc : memref<!tpu.dma_semaphore, #tpu.memory_space<semaphore_mem>>
        %dma_start3A_143 = arith.constant 0 : i32
        %dma_start3A_144 = tpu.memref_slice %arg5[%arg0, %add3A, %dma_start3A_143] : memref<2x10000x128xf32, #tpu.memory_space<hbm>> -> memref<1x624x128xf32, #tpu.memory_space<hbm>>
        %dma_start3A_145 = tpu.memref_squeeze %dma_start3A_144 : memref<1x624x128xf32, #tpu.memory_space<hbm>> -> memref<624x128xf32, #tpu.memory_space<hbm>>
        %dma_start3A_146 = arith.constant 0 : i32
        %dma_start3A_147 = tpu.memref_slice %arg12[%add3A, %dma_start3A_146] : memref<10512x128xf32, #tpu.memory_space<vmem_shared>> -> memref<624x128xf32, #tpu.memory_space<vmem_shared>>
        tpu.enqueue_dma source(%dma_start3A_147 : memref<624x128xf32, #tpu.memory_space<vmem_shared>>) target(%dma_start3A_145 : memref<624x128xf32, #tpu.memory_space<hbm>>) target_semaphore(%run_scoped3A : memref<!tpu.dma_semaphore, #tpu.memory_space<semaphore_mem>>)
        %dma_wait3A_148 = arith.constant 0 : i32
        %dma_wait3A_149 = tpu.memref_slice %arg5[%arg0, %add3A, %dma_wait3A_148] : memref<2x10000x128xf32, #tpu.memory_space<hbm>> -> memref<1x624x128xf32, #tpu.memory_space<hbm>>
        %dma_wait3A_150 = tpu.memref_squeeze %dma_wait3A_149 : memref<1x624x128xf32, #tpu.memory_space<hbm>> -> memref<624x128xf32, #tpu.memory_space<hbm>>
        %dma_wait3A_151 = arith.constant 0 : i32
        %dma_wait3A_152 = tpu.memref_slice %arg12[%add3A, %dma_wait3A_151] : memref<10512x128xf32, #tpu.memory_space<vmem_shared>> -> memref<624x128xf32, #tpu.memory_space<vmem_shared>>
        tpu.wait_dma2 semaphore(%run_scoped3A : memref<!tpu.dma_semaphore, #tpu.memory_space<semaphore_mem>>) src(%dma_wait3A_152 : memref<624x128xf32, #tpu.memory_space<vmem_shared>>) dst(%dma_wait3A_150 : memref<624x128xf32, #tpu.memory_space<hbm>>)
        tpu.yield
      }) : () -> ()
    } else {
    }
    return
  }
}

module attributes {stable_mosaic.version = 14 : i64} {
  func.func @_trans_body(%arg0: memref<2x1x10512xf32, #tpu.memory_space<vmem>>, %arg1: memref<10000x1xf32, #tpu.memory_space<vmem>>) attributes {dimension_semantics = [], scalar_prefetch = 0 : i64, scratch_operands = 0 : i64, tpu.core_type = #tpu.core_type<tc>} {
    %iota3A = tpu.iota {dimensions = array<i32: 0>} : vector<1000x1000xi32>
    %iota3A_0 = tpu.iota {dimensions = array<i32: 1>} : vector<1000x1000xi32>
    %add3A = arith.constant 0 : i32
    %add3A_1 = vector.broadcast %add3A : i32 to vector<1000x1000xi32>
    %add3A_2 = arith.addi %iota3A, %add3A_1 : vector<1000x1000xi32>
    %eq3A = arith.cmpi eq, %add3A_2, %iota3A_0 : vector<1000x1000xi32>
    %convert_element_type3A = arith.extui %eq3A : vector<1000x1000xi1> to vector<1000x1000xi32>
    %convert_element_type3A_3 = arith.sitofp %convert_element_type3A : vector<1000x1000xi32> to vector<1000x1000xf32>
    %get3A = arith.constant 0 : index
    %get3A_4 = arith.constant 0 : index
    %get3A_5 = arith.constant 0 : index
    %get3A_6 = vector.load %arg0[%get3A, %get3A_4, %get3A_5] : memref<2x1x10512xf32, #tpu.memory_space<vmem>>, vector<1x1x1000xf32>
    %get3A_7 = vector.shape_cast %get3A_6 : vector<1x1x1000xf32> to vector<1x1000xf32>
    %get3A_8 = arith.constant 1 : index
    %get3A_9 = arith.constant 0 : index
    %get3A_10 = arith.constant 0 : index
    %get3A_11 = vector.load %arg0[%get3A_8, %get3A_9, %get3A_10] : memref<2x1x10512xf32, #tpu.memory_space<vmem>>, vector<1x1x1000xf32>
    %get3A_12 = vector.shape_cast %get3A_11 : vector<1x1x1000xf32> to vector<1x1000xf32>
    %add3A_13 = arith.addf %get3A_7, %get3A_12 : vector<1x1000xf32>
    %rsqrt3A = math.rsqrt %add3A_13 : vector<1x1000xf32>
    %dot_general3A = arith.constant dense<0.000000e+00> : vector<1000x1xf32>
    %dot_general3A_14 = tpu.matmul %convert_element_type3A_3, %rsqrt3A, %dot_general3A {dimension_numbers = #tpu.dot_dimension_numbers<[1], [1], [0], [0], [0, 0, 1, 0], [], []>, transpose_lhs_hint = false} : vector<1000x1000xf32>, vector<1x1000xf32>, vector<1000x1xf32> -> vector<1000x1xf32>
    %swap3A = arith.constant 0 : index
    %swap3A_15 = arith.constant 0 : index
    %swap3A_16 = vector.load %arg1[%swap3A, %swap3A_15] : memref<10000x1xf32, #tpu.memory_space<vmem>>, vector<1000x1xf32>
    tpu.vector_store %arg1[%swap3A, %swap3A_15], %dot_general3A_14 {strides = array<i32>} : memref<10000x1xf32, #tpu.memory_space<vmem>>, vector<1000x1xf32>,
    %get3A_17 = arith.constant 0 : index
    %get3A_18 = arith.constant 0 : index
    %get3A_19 = arith.constant 1000 : index
    %get3A_20 = vector.load %arg0[%get3A_17, %get3A_18, %get3A_19] : memref<2x1x10512xf32, #tpu.memory_space<vmem>>, vector<1x1x1000xf32>
    %get3A_21 = vector.shape_cast %get3A_20 : vector<1x1x1000xf32> to vector<1x1000xf32>
    %get3A_22 = arith.constant 1 : index
    %get3A_23 = arith.constant 0 : index
    %get3A_24 = arith.constant 1000 : index
    %get3A_25 = vector.load %arg0[%get3A_22, %get3A_23, %get3A_24] : memref<2x1x10512xf32, #tpu.memory_space<vmem>>, vector<1x1x1000xf32>
    %get3A_26 = vector.shape_cast %get3A_25 : vector<1x1x1000xf32> to vector<1x1000xf32>
    %add3A_27 = arith.addf %get3A_21, %get3A_26 : vector<1x1000xf32>
    %rsqrt3A_28 = math.rsqrt %add3A_27 : vector<1x1000xf32>
    %dot_general3A_29 = arith.constant dense<0.000000e+00> : vector<1000x1xf32>
    %dot_general3A_30 = tpu.matmul %convert_element_type3A_3, %rsqrt3A_28, %dot_general3A_29 {dimension_numbers = #tpu.dot_dimension_numbers<[1], [1], [0], [0], [0, 0, 1, 0], [], []>, transpose_lhs_hint = false} : vector<1000x1000xf32>, vector<1x1000xf32>, vector<1000x1xf32> -> vector<1000x1xf32>
    %swap3A_31 = arith.constant 1000 : index
    %swap3A_32 = arith.constant 0 : index
    %swap3A_33 = vector.load %arg1[%swap3A_31, %swap3A_32] : memref<10000x1xf32, #tpu.memory_space<vmem>>, vector<1000x1xf32>
    tpu.vector_store %arg1[%swap3A_31, %swap3A_32], %dot_general3A_30 {strides = array<i32>} : memref<10000x1xf32, #tpu.memory_space<vmem>>, vector<1000x1xf32>,
    %get3A_34 = arith.constant 0 : index
    %get3A_35 = arith.constant 0 : index
    %get3A_36 = arith.constant 2000 : index
    %get3A_37 = vector.load %arg0[%get3A_34, %get3A_35, %get3A_36] : memref<2x1x10512xf32, #tpu.memory_space<vmem>>, vector<1x1x1000xf32>
    %get3A_38 = vector.shape_cast %get3A_37 : vector<1x1x1000xf32> to vector<1x1000xf32>
    %get3A_39 = arith.constant 1 : index
    %get3A_40 = arith.constant 0 : index
    %get3A_41 = arith.constant 2000 : index
    %get3A_42 = vector.load %arg0[%get3A_39, %get3A_40, %get3A_41] : memref<2x1x10512xf32, #tpu.memory_space<vmem>>, vector<1x1x1000xf32>
    %get3A_43 = vector.shape_cast %get3A_42 : vector<1x1x1000xf32> to vector<1x1000xf32>
    %add3A_44 = arith.addf %get3A_38, %get3A_43 : vector<1x1000xf32>
    %rsqrt3A_45 = math.rsqrt %add3A_44 : vector<1x1000xf32>
    %dot_general3A_46 = arith.constant dense<0.000000e+00> : vector<1000x1xf32>
    %dot_general3A_47 = tpu.matmul %convert_element_type3A_3, %rsqrt3A_45, %dot_general3A_46 {dimension_numbers = #tpu.dot_dimension_numbers<[1], [1], [0], [0], [0, 0, 1, 0], [], []>, transpose_lhs_hint = false} : vector<1000x1000xf32>, vector<1x1000xf32>, vector<1000x1xf32> -> vector<1000x1xf32>
    %swap3A_48 = arith.constant 2000 : index
    %swap3A_49 = arith.constant 0 : index
    %swap3A_50 = vector.load %arg1[%swap3A_48, %swap3A_49] : memref<10000x1xf32, #tpu.memory_space<vmem>>, vector<1000x1xf32>
    tpu.vector_store %arg1[%swap3A_48, %swap3A_49], %dot_general3A_47 {strides = array<i32>} : memref<10000x1xf32, #tpu.memory_space<vmem>>, vector<1000x1xf32>,
    %get3A_51 = arith.constant 0 : index
    %get3A_52 = arith.constant 0 : index
    %get3A_53 = arith.constant 3000 : index
    %get3A_54 = vector.load %arg0[%get3A_51, %get3A_52, %get3A_53] : memref<2x1x10512xf32, #tpu.memory_space<vmem>>, vector<1x1x1000xf32>
    %get3A_55 = vector.shape_cast %get3A_54 : vector<1x1x1000xf32> to vector<1x1000xf32>
    %get3A_56 = arith.constant 1 : index
    %get3A_57 = arith.constant 0 : index
    %get3A_58 = arith.constant 3000 : index
    %get3A_59 = vector.load %arg0[%get3A_56, %get3A_57, %get3A_58] : memref<2x1x10512xf32, #tpu.memory_space<vmem>>, vector<1x1x1000xf32>
    %get3A_60 = vector.shape_cast %get3A_59 : vector<1x1x1000xf32> to vector<1x1000xf32>
    %add3A_61 = arith.addf %get3A_55, %get3A_60 : vector<1x1000xf32>
    %rsqrt3A_62 = math.rsqrt %add3A_61 : vector<1x1000xf32>
    %dot_general3A_63 = arith.constant dense<0.000000e+00> : vector<1000x1xf32>
    %dot_general3A_64 = tpu.matmul %convert_element_type3A_3, %rsqrt3A_62, %dot_general3A_63 {dimension_numbers = #tpu.dot_dimension_numbers<[1], [1], [0], [0], [0, 0, 1, 0], [], []>, transpose_lhs_hint = false} : vector<1000x1000xf32>, vector<1x1000xf32>, vector<1000x1xf32> -> vector<1000x1xf32>
    %swap3A_65 = arith.constant 3000 : index
    %swap3A_66 = arith.constant 0 : index
    %swap3A_67 = vector.load %arg1[%swap3A_65, %swap3A_66] : memref<10000x1xf32, #tpu.memory_space<vmem>>, vector<1000x1xf32>
    tpu.vector_store %arg1[%swap3A_65, %swap3A_66], %dot_general3A_64 {strides = array<i32>} : memref<10000x1xf32, #tpu.memory_space<vmem>>, vector<1000x1xf32>,
    %get3A_68 = arith.constant 0 : index
    %get3A_69 = arith.constant 0 : index
    %get3A_70 = arith.constant 4000 : index
    %get3A_71 = vector.load %arg0[%get3A_68, %get3A_69, %get3A_70] : memref<2x1x10512xf32, #tpu.memory_space<vmem>>, vector<1x1x1000xf32>
    %get3A_72 = vector.shape_cast %get3A_71 : vector<1x1x1000xf32> to vector<1x1000xf32>
    %get3A_73 = arith.constant 1 : index
    %get3A_74 = arith.constant 0 : index
    %get3A_75 = arith.constant 4000 : index
    %get3A_76 = vector.load %arg0[%get3A_73, %get3A_74, %get3A_75] : memref<2x1x10512xf32, #tpu.memory_space<vmem>>, vector<1x1x1000xf32>
    %get3A_77 = vector.shape_cast %get3A_76 : vector<1x1x1000xf32> to vector<1x1000xf32>
    %add3A_78 = arith.addf %get3A_72, %get3A_77 : vector<1x1000xf32>
    %rsqrt3A_79 = math.rsqrt %add3A_78 : vector<1x1000xf32>
    %dot_general3A_80 = arith.constant dense<0.000000e+00> : vector<1000x1xf32>
    %dot_general3A_81 = tpu.matmul %convert_element_type3A_3, %rsqrt3A_79, %dot_general3A_80 {dimension_numbers = #tpu.dot_dimension_numbers<[1], [1], [0], [0], [0, 0, 1, 0], [], []>, transpose_lhs_hint = false} : vector<1000x1000xf32>, vector<1x1000xf32>, vector<1000x1xf32> -> vector<1000x1xf32>
    %swap3A_82 = arith.constant 4000 : index
    %swap3A_83 = arith.constant 0 : index
    %swap3A_84 = vector.load %arg1[%swap3A_82, %swap3A_83] : memref<10000x1xf32, #tpu.memory_space<vmem>>, vector<1000x1xf32>
    tpu.vector_store %arg1[%swap3A_82, %swap3A_83], %dot_general3A_81 {strides = array<i32>} : memref<10000x1xf32, #tpu.memory_space<vmem>>, vector<1000x1xf32>,
    %get3A_85 = arith.constant 0 : index
    %get3A_86 = arith.constant 0 : index
    %get3A_87 = arith.constant 5000 : index
    %get3A_88 = vector.load %arg0[%get3A_85, %get3A_86, %get3A_87] : memref<2x1x10512xf32, #tpu.memory_space<vmem>>, vector<1x1x1000xf32>
    %get3A_89 = vector.shape_cast %get3A_88 : vector<1x1x1000xf32> to vector<1x1000xf32>
    %get3A_90 = arith.constant 1 : index
    %get3A_91 = arith.constant 0 : index
    %get3A_92 = arith.constant 5000 : index
    %get3A_93 = vector.load %arg0[%get3A_90, %get3A_91, %get3A_92] : memref<2x1x10512xf32, #tpu.memory_space<vmem>>, vector<1x1x1000xf32>
    %get3A_94 = vector.shape_cast %get3A_93 : vector<1x1x1000xf32> to vector<1x1000xf32>
    %add3A_95 = arith.addf %get3A_89, %get3A_94 : vector<1x1000xf32>
    %rsqrt3A_96 = math.rsqrt %add3A_95 : vector<1x1000xf32>
    %dot_general3A_97 = arith.constant dense<0.000000e+00> : vector<1000x1xf32>
    %dot_general3A_98 = tpu.matmul %convert_element_type3A_3, %rsqrt3A_96, %dot_general3A_97 {dimension_numbers = #tpu.dot_dimension_numbers<[1], [1], [0], [0], [0, 0, 1, 0], [], []>, transpose_lhs_hint = false} : vector<1000x1000xf32>, vector<1x1000xf32>, vector<1000x1xf32> -> vector<1000x1xf32>
    %swap3A_99 = arith.constant 5000 : index
    %swap3A_100 = arith.constant 0 : index
    %swap3A_101 = vector.load %arg1[%swap3A_99, %swap3A_100] : memref<10000x1xf32, #tpu.memory_space<vmem>>, vector<1000x1xf32>
    tpu.vector_store %arg1[%swap3A_99, %swap3A_100], %dot_general3A_98 {strides = array<i32>} : memref<10000x1xf32, #tpu.memory_space<vmem>>, vector<1000x1xf32>,
    %get3A_102 = arith.constant 0 : index
    %get3A_103 = arith.constant 0 : index
    %get3A_104 = arith.constant 6000 : index
    %get3A_105 = vector.load %arg0[%get3A_102, %get3A_103, %get3A_104] : memref<2x1x10512xf32, #tpu.memory_space<vmem>>, vector<1x1x1000xf32>
    %get3A_106 = vector.shape_cast %get3A_105 : vector<1x1x1000xf32> to vector<1x1000xf32>
    %get3A_107 = arith.constant 1 : index
    %get3A_108 = arith.constant 0 : index
    %get3A_109 = arith.constant 6000 : index
    %get3A_110 = vector.load %arg0[%get3A_107, %get3A_108, %get3A_109] : memref<2x1x10512xf32, #tpu.memory_space<vmem>>, vector<1x1x1000xf32>
    %get3A_111 = vector.shape_cast %get3A_110 : vector<1x1x1000xf32> to vector<1x1000xf32>
    %add3A_112 = arith.addf %get3A_106, %get3A_111 : vector<1x1000xf32>
    %rsqrt3A_113 = math.rsqrt %add3A_112 : vector<1x1000xf32>
    %dot_general3A_114 = arith.constant dense<0.000000e+00> : vector<1000x1xf32>
    %dot_general3A_115 = tpu.matmul %convert_element_type3A_3, %rsqrt3A_113, %dot_general3A_114 {dimension_numbers = #tpu.dot_dimension_numbers<[1], [1], [0], [0], [0, 0, 1, 0], [], []>, transpose_lhs_hint = false} : vector<1000x1000xf32>, vector<1x1000xf32>, vector<1000x1xf32> -> vector<1000x1xf32>
    %swap3A_116 = arith.constant 6000 : index
    %swap3A_117 = arith.constant 0 : index
    %swap3A_118 = vector.load %arg1[%swap3A_116, %swap3A_117] : memref<10000x1xf32, #tpu.memory_space<vmem>>, vector<1000x1xf32>
    tpu.vector_store %arg1[%swap3A_116, %swap3A_117], %dot_general3A_115 {strides = array<i32>} : memref<10000x1xf32, #tpu.memory_space<vmem>>, vector<1000x1xf32>,
    %get3A_119 = arith.constant 0 : index
    %get3A_120 = arith.constant 0 : index
    %get3A_121 = arith.constant 7000 : index
    %get3A_122 = vector.load %arg0[%get3A_119, %get3A_120, %get3A_121] : memref<2x1x10512xf32, #tpu.memory_space<vmem>>, vector<1x1x1000xf32>
    %get3A_123 = vector.shape_cast %get3A_122 : vector<1x1x1000xf32> to vector<1x1000xf32>
    %get3A_124 = arith.constant 1 : index
    %get3A_125 = arith.constant 0 : index
    %get3A_126 = arith.constant 7000 : index
    %get3A_127 = vector.load %arg0[%get3A_124, %get3A_125, %get3A_126] : memref<2x1x10512xf32, #tpu.memory_space<vmem>>, vector<1x1x1000xf32>
    %get3A_128 = vector.shape_cast %get3A_127 : vector<1x1x1000xf32> to vector<1x1000xf32>
    %add3A_129 = arith.addf %get3A_123, %get3A_128 : vector<1x1000xf32>
    %rsqrt3A_130 = math.rsqrt %add3A_129 : vector<1x1000xf32>
    %dot_general3A_131 = arith.constant dense<0.000000e+00> : vector<1000x1xf32>
    %dot_general3A_132 = tpu.matmul %convert_element_type3A_3, %rsqrt3A_130, %dot_general3A_131 {dimension_numbers = #tpu.dot_dimension_numbers<[1], [1], [0], [0], [0, 0, 1, 0], [], []>, transpose_lhs_hint = false} : vector<1000x1000xf32>, vector<1x1000xf32>, vector<1000x1xf32> -> vector<1000x1xf32>
    %swap3A_133 = arith.constant 7000 : index
    %swap3A_134 = arith.constant 0 : index
    %swap3A_135 = vector.load %arg1[%swap3A_133, %swap3A_134] : memref<10000x1xf32, #tpu.memory_space<vmem>>, vector<1000x1xf32>
    tpu.vector_store %arg1[%swap3A_133, %swap3A_134], %dot_general3A_132 {strides = array<i32>} : memref<10000x1xf32, #tpu.memory_space<vmem>>, vector<1000x1xf32>,
    %get3A_136 = arith.constant 0 : index
    %get3A_137 = arith.constant 0 : index
    %get3A_138 = arith.constant 8000 : index
    %get3A_139 = vector.load %arg0[%get3A_136, %get3A_137, %get3A_138] : memref<2x1x10512xf32, #tpu.memory_space<vmem>>, vector<1x1x1000xf32>
    %get3A_140 = vector.shape_cast %get3A_139 : vector<1x1x1000xf32> to vector<1x1000xf32>
    %get3A_141 = arith.constant 1 : index
    %get3A_142 = arith.constant 0 : index
    %get3A_143 = arith.constant 8000 : index
    %get3A_144 = vector.load %arg0[%get3A_141, %get3A_142, %get3A_143] : memref<2x1x10512xf32, #tpu.memory_space<vmem>>, vector<1x1x1000xf32>
    %get3A_145 = vector.shape_cast %get3A_144 : vector<1x1x1000xf32> to vector<1x1000xf32>
    %add3A_146 = arith.addf %get3A_140, %get3A_145 : vector<1x1000xf32>
    %rsqrt3A_147 = math.rsqrt %add3A_146 : vector<1x1000xf32>
    %dot_general3A_148 = arith.constant dense<0.000000e+00> : vector<1000x1xf32>
    %dot_general3A_149 = tpu.matmul %convert_element_type3A_3, %rsqrt3A_147, %dot_general3A_148 {dimension_numbers = #tpu.dot_dimension_numbers<[1], [1], [0], [0], [0, 0, 1, 0], [], []>, transpose_lhs_hint = false} : vector<1000x1000xf32>, vector<1x1000xf32>, vector<1000x1xf32> -> vector<1000x1xf32>
    %swap3A_150 = arith.constant 8000 : index
    %swap3A_151 = arith.constant 0 : index
    %swap3A_152 = vector.load %arg1[%swap3A_150, %swap3A_151] : memref<10000x1xf32, #tpu.memory_space<vmem>>, vector<1000x1xf32>
    tpu.vector_store %arg1[%swap3A_150, %swap3A_151], %dot_general3A_149 {strides = array<i32>} : memref<10000x1xf32, #tpu.memory_space<vmem>>, vector<1000x1xf32>,
    %get3A_153 = arith.constant 0 : index
    %get3A_154 = arith.constant 0 : index
    %get3A_155 = arith.constant 9000 : index
    %get3A_156 = vector.load %arg0[%get3A_153, %get3A_154, %get3A_155] : memref<2x1x10512xf32, #tpu.memory_space<vmem>>, vector<1x1x1000xf32>
    %get3A_157 = vector.shape_cast %get3A_156 : vector<1x1x1000xf32> to vector<1x1000xf32>
    %get3A_158 = arith.constant 1 : index
    %get3A_159 = arith.constant 0 : index
    %get3A_160 = arith.constant 9000 : index
    %get3A_161 = vector.load %arg0[%get3A_158, %get3A_159, %get3A_160] : memref<2x1x10512xf32, #tpu.memory_space<vmem>>, vector<1x1x1000xf32>
    %get3A_162 = vector.shape_cast %get3A_161 : vector<1x1x1000xf32> to vector<1x1000xf32>
    %add3A_163 = arith.addf %get3A_157, %get3A_162 : vector<1x1000xf32>
    %rsqrt3A_164 = math.rsqrt %add3A_163 : vector<1x1000xf32>
    %dot_general3A_165 = arith.constant dense<0.000000e+00> : vector<1000x1xf32>
    %dot_general3A_166 = tpu.matmul %convert_element_type3A_3, %rsqrt3A_164, %dot_general3A_165 {dimension_numbers = #tpu.dot_dimension_numbers<[1], [1], [0], [0], [0, 0, 1, 0], [], []>, transpose_lhs_hint = false} : vector<1000x1000xf32>, vector<1x1000xf32>, vector<1000x1xf32> -> vector<1000x1xf32>
    %swap3A_167 = arith.constant 9000 : index
    %swap3A_168 = arith.constant 0 : index
    %swap3A_169 = vector.load %arg1[%swap3A_167, %swap3A_168] : memref<10000x1xf32, #tpu.memory_space<vmem>>, vector<1000x1xf32>
    tpu.vector_store %arg1[%swap3A_167, %swap3A_168], %dot_general3A_166 {strides = array<i32>} : memref<10000x1xf32, #tpu.memory_space<vmem>>, vector<1000x1xf32>,
    return
  }
}

module attributes {stable_mosaic.version = 14 : i64} {
  func.func @_scale_body(%arg0: i32, %arg1: memref<2000x1xf32, #tpu.memory_space<vmem>>, %arg2: memref<2000x256xf32, #tpu.memory_space<vmem>>, %arg3: memref<2x2000x128xf32, #tpu.memory_space<vmem>>) attributes {dimension_semantics = [#tpu.dimension_semantics<arbitrary>], iteration_bounds = array<i64: 5>, scalar_prefetch = 0 : i64, scratch_operands = 0 : i64, tpu.core_type = #tpu.core_type<tc>, window_params = [{transform_indices = @transform_0, window_bounds = array<i64: 2000, 1>}, {transform_indices = @transform_1, window_bounds = array<i64: 2000, 256>}, {transform_indices = @transform_2, window_bounds = array<i64: 2, 2000, 128>}]} {
    %get3A = arith.constant 0 : index
    %get3A_0 = arith.constant 0 : index
    %get3A_1 = vector.load %arg2[%get3A, %get3A_0] : memref<2000x256xf32, #tpu.memory_space<vmem>>, vector<2000x256xf32>
    %get3A_2 = arith.constant 0 : index
    %get3A_3 = arith.constant 0 : index
    %get3A_4 = vector.load %arg1[%get3A_2, %get3A_3] : memref<2000x1xf32, #tpu.memory_space<vmem>>, vector<2000x1xf32>
    %mul3A = vector.broadcast %get3A_4 : vector<2000x1xf32> to vector<2000x256xf32>
    %mul3A_5 = arith.mulf %get3A_1, %mul3A : vector<2000x256xf32>
    %slice3A = vector.extract_strided_slice %mul3A_5 {offsets = [0, 0], sizes = [2000, 128], strides = [1, 1]} : vector<2000x256xf32> to vector<2000x128xf32>
    %swap3A = arith.constant 0 : index
    %swap3A_6 = arith.constant 0 : index
    %swap3A_7 = arith.constant 0 : index
    %swap3A_8 = vector.load %arg3[%swap3A, %swap3A_6, %swap3A_7] : memref<2x2000x128xf32, #tpu.memory_space<vmem>>, vector<1x2000x128xf32>
    %swap3A_9 = vector.shape_cast %swap3A_8 : vector<1x2000x128xf32> to vector<2000x128xf32>
    %swap3A_10 = vector.shape_cast %slice3A : vector<2000x128xf32> to vector<1x2000x128xf32>
    tpu.vector_store %arg3[%swap3A, %swap3A_6, %swap3A_7], %swap3A_10 {strides = array<i32>} : memref<2x2000x128xf32, #tpu.memory_space<vmem>>, vector<1x2000x128xf32>,
    %slice3A_11 = vector.extract_strided_slice %mul3A_5 {offsets = [0, 128], sizes = [2000, 128], strides = [1, 1]} : vector<2000x256xf32> to vector<2000x128xf32>
    %swap3A_12 = arith.constant 1 : index
    %swap3A_13 = arith.constant 0 : index
    %swap3A_14 = arith.constant 0 : index
    %swap3A_15 = vector.load %arg3[%swap3A_12, %swap3A_13, %swap3A_14] : memref<2x2000x128xf32, #tpu.memory_space<vmem>>, vector<1x2000x128xf32>
    %swap3A_16 = vector.shape_cast %swap3A_15 : vector<1x2000x128xf32> to vector<2000x128xf32>
    %swap3A_17 = vector.shape_cast %slice3A_11 : vector<2000x128xf32> to vector<1x2000x128xf32>
    tpu.vector_store %arg3[%swap3A_12, %swap3A_13, %swap3A_14], %swap3A_17 {strides = array<i32>} : memref<2x2000x128xf32, #tpu.memory_space<vmem>>, vector<1x2000x128xf32>,
    return
  }
  func.func @transform_0(%arg0: i32) -> (i32, i32) {
    %c0_i32 = arith.constant 0 : i32
    %c0_i32_0 = arith.constant 0 : i32
    return %arg0, %c0_i32 : i32, i32
  }
  func.func @transform_1(%arg0: i32) -> (i32, i32) {
    %c0_i32 = arith.constant 0 : i32
    %c0_i32_0 = arith.constant 0 : i32
    return %arg0, %c0_i32 : i32, i32
  }
  func.func @transform_2(%arg0: i32) -> (i32, i32, i32) {
    %c0_i32 = arith.constant 0 : i32
    %c0_i32_0 = arith.constant 0 : i32
    %c0_i32_1 = arith.constant 0 : i32
    return %c0_i32, %arg0, %c0_i32_0 : i32, i32, i32
  }
}

module attributes {stable_mosaic.version = 14 : i64} {
  func.func @_final_body(%arg0: i32, %arg1: memref<2000x1xf32, #tpu.memory_space<vmem>>, %arg2: memref<2x2000x128xf32, #tpu.memory_space<vmem>>, %arg3: memref<256x256xf32, #tpu.memory_space<vmem>>, %arg4: memref<256x256xf32, #tpu.memory_space<vmem>>, %arg5: memref<1x256xf32, #tpu.memory_space<vmem>>, %arg6: memref<1x256xf32, #tpu.memory_space<vmem>>, %arg7: memref<2000x256xf32, #tpu.memory_space<vmem>>, %arg8: memref<2000x256xf32, #tpu.memory_space<vmem>>) attributes {dimension_semantics = [#tpu.dimension_semantics<arbitrary>], iteration_bounds = array<i64: 5>, scalar_prefetch = 0 : i64, scratch_operands = 0 : i64, tpu.core_type = #tpu.core_type<tc>, window_params = [{transform_indices = @transform_0, window_bounds = array<i64: 2000, 1>}, {transform_indices = @transform_1, window_bounds = array<i64: 2, 2000, 128>}, {pipeline_mode = #tpu.pipeline_mode<synchronous>, transform_indices = @transform_2, window_bounds = array<i64: 256, 256>}, {pipeline_mode = #tpu.pipeline_mode<synchronous>, transform_indices = @transform_3, window_bounds = array<i64: 256, 256>}, {pipeline_mode = #tpu.pipeline_mode<synchronous>, transform_indices = @transform_4, window_bounds = array<i64: 1, 256>}, {pipeline_mode = #tpu.pipeline_mode<synchronous>, transform_indices = @transform_5, window_bounds = array<i64: 1, 256>}, {transform_indices = @transform_6, window_bounds = array<i64: 2000, 256>}, {transform_indices = @transform_7, window_bounds = array<i64: 2000, 256>}]} {
    %get3A = arith.constant 0 : index
    %get3A_0 = arith.constant 0 : index
    %get3A_1 = vector.load %arg1[%get3A, %get3A_0] : memref<2000x1xf32, #tpu.memory_space<vmem>>, vector<2000x1xf32>
    %get3A_2 = arith.constant 0 : index
    %get3A_3 = arith.constant 0 : index
    %get3A_4 = arith.constant 0 : index
    %get3A_5 = vector.load %arg2[%get3A_2, %get3A_3, %get3A_4] : memref<2x2000x128xf32, #tpu.memory_space<vmem>>, vector<1x2000x128xf32>
    %get3A_6 = vector.shape_cast %get3A_5 : vector<1x2000x128xf32> to vector<2000x128xf32>
    %mul3A = vector.broadcast %get3A_1 : vector<2000x1xf32> to vector<2000x128xf32>
    %mul3A_7 = arith.mulf %mul3A, %get3A_6 : vector<2000x128xf32>
    %get3A_8 = arith.constant 1 : index
    %get3A_9 = arith.constant 0 : index
    %get3A_10 = arith.constant 0 : index
    %get3A_11 = vector.load %arg2[%get3A_8, %get3A_9, %get3A_10] : memref<2x2000x128xf32, #tpu.memory_space<vmem>>, vector<1x2000x128xf32>
    %get3A_12 = vector.shape_cast %get3A_11 : vector<1x2000x128xf32> to vector<2000x128xf32>
    %mul3A_13 = vector.broadcast %get3A_1 : vector<2000x1xf32> to vector<2000x128xf32>
    %mul3A_14 = arith.mulf %mul3A_13, %get3A_12 : vector<2000x128xf32>
    %concatenate3A = tpu.concatenate %mul3A_7, %mul3A_14 in 1 : vector<2000x128xf32>, vector<2000x128xf32> -> vector<2000x256xf32>
    %convert_element_type3A = arith.truncf %concatenate3A : vector<2000x256xf32> to vector<2000x256xbf16>
    %get3A_15 = arith.constant 0 : index
    %get3A_16 = arith.constant 0 : index
    %get3A_17 = vector.load %arg3[%get3A_15, %get3A_16] : memref<256x256xf32, #tpu.memory_space<vmem>>, vector<256x256xf32>
    %convert_element_type3A_18 = arith.truncf %get3A_17 : vector<256x256xf32> to vector<256x256xbf16>
    %dot_general3A = arith.constant dense<0.000000e+00> : vector<2000x256xf32>
    %dot_general3A_19 = tpu.matmul %convert_element_type3A, %convert_element_type3A_18, %dot_general3A {dimension_numbers = #tpu.dot_dimension_numbers<[1], [0], [0], [1], [0, 0, 1, 1], [], []>, transpose_lhs_hint = false} : vector<2000x256xbf16>, vector<256x256xbf16>, vector<2000x256xf32> -> vector<2000x256xf32>
    %get3A_20 = arith.constant 0 : index
    %get3A_21 = arith.constant 0 : index
    %get3A_22 = vector.load %arg5[%get3A_20, %get3A_21] : memref<1x256xf32, #tpu.memory_space<vmem>>, vector<1x256xf32>
    %add3A = vector.broadcast %get3A_22 : vector<1x256xf32> to vector<2000x256xf32>
    %add3A_23 = arith.addf %dot_general3A_19, %add3A : vector<2000x256xf32>
    %swap3A = arith.constant 0 : index
    %swap3A_24 = arith.constant 0 : index
    %swap3A_25 = vector.load %arg7[%swap3A, %swap3A_24] : memref<2000x256xf32, #tpu.memory_space<vmem>>, vector<2000x256xf32>
    tpu.vector_store %arg7[%swap3A, %swap3A_24], %add3A_23 {strides = array<i32>} : memref<2000x256xf32, #tpu.memory_space<vmem>>, vector<2000x256xf32>,
    %get3A_26 = arith.constant 0 : index
    %get3A_27 = arith.constant 0 : index
    %get3A_28 = vector.load %arg4[%get3A_26, %get3A_27] : memref<256x256xf32, #tpu.memory_space<vmem>>, vector<256x256xf32>
    %convert_element_type3A_29 = arith.truncf %get3A_28 : vector<256x256xf32> to vector<256x256xbf16>
    %dot_general3A_30 = arith.constant dense<0.000000e+00> : vector<2000x256xf32>
    %dot_general3A_31 = tpu.matmul %convert_element_type3A, %convert_element_type3A_29, %dot_general3A_30 {dimension_numbers = #tpu.dot_dimension_numbers<[1], [0], [0], [1], [0, 0, 1, 1], [], []>, transpose_lhs_hint = false} : vector<2000x256xbf16>, vector<256x256xbf16>, vector<2000x256xf32> -> vector<2000x256xf32>
    %get3A_32 = arith.constant 0 : index
    %get3A_33 = arith.constant 0 : index
    %get3A_34 = vector.load %arg6[%get3A_32, %get3A_33] : memref<1x256xf32, #tpu.memory_space<vmem>>, vector<1x256xf32>
    %add3A_35 = vector.broadcast %get3A_34 : vector<1x256xf32> to vector<2000x256xf32>
    %add3A_36 = arith.addf %dot_general3A_31, %add3A_35 : vector<2000x256xf32>
    %swap3A_37 = arith.constant 0 : index
    %swap3A_38 = arith.constant 0 : index
    %swap3A_39 = vector.load %arg8[%swap3A_37, %swap3A_38] : memref<2000x256xf32, #tpu.memory_space<vmem>>, vector<2000x256xf32>
    tpu.vector_store %arg8[%swap3A_37, %swap3A_38], %add3A_36 {strides = array<i32>} : memref<2000x256xf32, #tpu.memory_space<vmem>>, vector<2000x256xf32>,
    return
  }
  func.func @transform_0(%arg0: i32) -> (i32, i32) {
    %c0_i32 = arith.constant 0 : i32
    %c0_i32_0 = arith.constant 0 : i32
    return %arg0, %c0_i32 : i32, i32
  }
  func.func @transform_1(%arg0: i32) -> (i32, i32, i32) {
    %c0_i32 = arith.constant 0 : i32
    %c0_i32_0 = arith.constant 0 : i32
    %c0_i32_1 = arith.constant 0 : i32
    return %c0_i32, %arg0, %c0_i32_0 : i32, i32, i32
  }
  func.func @transform_2(%arg0: i32) -> (i32, i32) {
    %c0_i32 = arith.constant 0 : i32
    %c0_i32_0 = arith.constant 0 : i32
    %c0_i32_1 = arith.constant 0 : i32
    return %c0_i32, %c0_i32_0 : i32, i32
  }
  func.func @transform_3(%arg0: i32) -> (i32, i32) {
    %c0_i32 = arith.constant 0 : i32
    %c0_i32_0 = arith.constant 0 : i32
    %c0_i32_1 = arith.constant 0 : i32
    return %c0_i32, %c0_i32_0 : i32, i32
  }
  func.func @transform_4(%arg0: i32) -> (i32, i32) {
    %c0_i32 = arith.constant 0 : i32
    %c0_i32_0 = arith.constant 0 : i32
    %c0_i32_1 = arith.constant 0 : i32
    return %c0_i32, %c0_i32_0 : i32, i32
  }
  func.func @transform_5(%arg0: i32) -> (i32, i32) {
    %c0_i32 = arith.constant 0 : i32
    %c0_i32_0 = arith.constant 0 : i32
    %c0_i32_1 = arith.constant 0 : i32
    return %c0_i32, %c0_i32_0 : i32, i32
  }
  func.func @transform_6(%arg0: i32) -> (i32, i32) {
    %c0_i32 = arith.constant 0 : i32
    %c0_i32_0 = arith.constant 0 : i32
    return %arg0, %c0_i32 : i32, i32
  }
  func.func @transform_7(%arg0: i32) -> (i32, i32) {
    %c0_i32 = arith.constant 0 : i32
    %c0_i32_0 = arith.constant 0 : i32
    return %arg0, %c0_i32 : i32, i32
  }
}

</mosaic_0001>

<sc_bundles>
// kernel: kernel.10.cloned.1.call-start
scs
__scs_entry_jumppad:
0x0: {  	(pc) =	sbr.rel $0x88, $3  }
0x1: {  	(tag) =	ssettag $0x0;
	lr =	simm.s32 $0x1  }
0x2: {  	[smem:$0x3F9B] =	sst lr;
	_ =	strace $0xD0000000  }
0x3: {  	_ = 	snop  }
0x4: {  	_ = 	snop  }
0x5: {  	_ = 	snop  }
0x6: {  	_ = 	snop  }
0x7: {  	_ = 	snop  }
__scs_overlays_trampoline_lowered:
0x8: {  	[smem:$0x3FAA] =	sst s0  }
0x9: {  	[smem:$0x3FAB] =	sst s1  }
0xa: {  	[smem:$0x3FAC] =	sst s2  }
0xb: {  	[smem:$0x3FAD] =	sst s3  }
0xc: {  	[smem:$0x3FAE] =	sst s4  }
0xd: {  	[smem:$0x3FAF] =	sst s5  }
0xe: {  	[smem:$0x3FB0] =	sst s6  }
0xf: {  	[smem:$0x3FB1] =	sst s7  }
0x10: {  	[smem:$0x3FB2] =	sst s8  }
0x11: {  	[smem:$0x3FB3] =	sst s9;
	s0 =	simm.s32 @!p0 $0x0  }
0x12: {  	s1 =	sld [smem:$0x3F99];
	s0 =	simm.s32 @p0 $0x1  }
0x13: {  	[smem:$0x3FB4] =	sst s0;
	s0 =	simm.s32 @!p1 $0x0  }
0x14: {  	s2 =	sld [smem:$0x3F98];
	s0 =	simm.s32 @p1 $0x1  }
0x15: {  	[smem:$0x3FB5] =	sst s0;
	s0 =	simm.s32 @!p2 $0x0  }
0x16: {  	s3 =	sld [smem:$0x3FDB];
	s0 =	simm.s32 @p2 $0x1  }
0x17: {  	s4 =	simm.s32 $0x1BF5;
	[smem:$0x3FB7] =	sst s0  }
0x18: {  	s0 =	sld [smem:$0x3F9A];
	_ =	swait.ge [sflag:s4], $0x0  }
0x19: {  	s7 =	sld [smem:$0x3F9B]  }
0x1a: {  	s8 =	sadd.s32 $0xFFFFE003, lr  }
0x1b: {  	s9 =	sadd.s32 $0xFFFFFEF7, lr;
	s5 =	simm.s32 $0xFFFFFFFF;
	p2 =	slt.u32 s8, $0xFFFFF086  }
0x1c: {  	p1 =	slt.u32 s9, $0xF7A;
	s5 =	simm.s32 @!p2 $0x0  }
0x1d: {  	s5 =	simm.s32 @p1 $0x1;
	p0 =	seq.s32 s7, s2  }
0x1e: {  	s7 =	smul.u32 @!p0 $0xF7A, s2;
	p2 =	seq.s32 @!p0 s5, $0x0  }
0x1f: {  	s9 =	smul.u32 $0xF7A, s1;
	s8 =	simm.s32 @!p0 $0x1BF5;
	p2 =	por !p2, p0  }
0x20: {  	[sflag:s8] =	ssyncset.s32 @!p0 $0xFFFFF086;
	s6 =	sadd.s32 @!p0 s3, s7;
	s7 =	simm.s32 @!p0 $0x108  }
0x21: {  	s3 =	sadd.s32 s3, s9;
	s6 =	sadd.s32 @!p0 $0x88, s6;
	s7 =	simm.s32 @p2 $0x1082  }
0x22: {  	[simem:s7], [sflag:s8] =	dma.local @!p0 [hbm:s6], $0xF7A  }
0x23: {  	s9 =	sor.u32 $0xD0000000, s2;
	s6 =	simm.s32 $0x108;
	_ =	swait.ge @!p0 [sflag:s8], $0x0  }
0x24: {  	s3 =	sadd.s32 $0x88, s3;
	s6 =	simm.s32 @!p1 $0x1082;
	[sflag:s4] =	ssyncset.s32 $0xFFFFF086  }
0x25: {  	[simem:s6], [sflag:s4] =	dma.local [hbm:s3], $0xF7A  }
0x26: {  	[smem:$0x3F9B] =	sst s1;
	(tag) =	ssettag s2;
	_ =	strace s9  }
0x27: {  	s1 =	sld [smem:$0x3FAB]  }
0x28: {  	s2 =	sld [smem:$0x3FAC]  }
0x29: {  	s4 =	sld [smem:$0x3FAE]  }
0x2a: {  	p0 =	seq.s32 s5, $0x0;
	s5 =	sld [smem:$0x3FAF]  }
0x2b: {  	s6 =	sld [smem:$0x3FB0]  }
0x2c: {  	s7 =	sld [smem:$0x3FB1]  }
0x2d: {  	s3 =	simm.s32 $0x108;
	s8 =	sld [smem:$0x3FB2]  }
0x2e: {  	s3 =	simm.s32 @!p0 $0x1082;
	s9 =	sld [smem:$0x3FB3]  }
0x2f: {  	lr =	sadd.s32 s0, s3;
	s0 =	sld [smem:$0x3FAA]  }
0x30: {  	s3 =	sld [smem:$0x3FAD]  }
0x31: {  	[smem:$0x3FB6] =	sst s10  }
0x32: {  	s10 =	sld [smem:$0x3FB4];
	_ =	sdelay $0x3  }
0x33: {  	p0 =	seq.s32 s10, $0x1;
	s10 =	sld [smem:$0x3FB6];
	_ =	sdelay $0x3  }
0x34: {  	[smem:$0x3FB6] =	sst s10  }
0x35: {  	s10 =	sld [smem:$0x3FB5];
	_ =	sdelay $0x3  }
0x36: {  	p1 =	seq.s32 s10, $0x1;
	s10 =	sld [smem:$0x3FB6];
	_ =	sdelay $0x3  }
0x37: {  	[smem:$0x3FB6] =	sst s10  }
0x38: {  	s10 =	sld [smem:$0x3FB7]  }
0x39: {  	_ = 	snop;
	(pc) =	sbr.ind lr, $3  }
0x3a: {  	_ = 	snop  }
0x3b: {  	_ = 	snop  }
0x3c: {  	p2 =	seq.s32 s10, $0x1;
	s10 =	sld [smem:$0x3FB6]  }
0x3d: {  	_ =	shalt  }
0x3e: {  	_ =	shalt  }
0x3f: {  	_ =	shalt  }
0x40: {  	_ =	shalt  }
0x41: {  	_ =	shalt  }
0x42: {  	_ =	shalt  }
0x43: {  	_ =	shalt  }
0x44: {  	_ =	shalt  }
0x45: {  	_ =	shalt  }
0x46: {  	_ =	shalt  }
0x47: {  	_ =	shalt  }
0x48: {  	_ =	shalt  }
0x49: {  	_ =	shalt  }
0x4a: {  	_ =	shalt  }
0x4b: {  	_ =	shalt  }
0x4c: {  	_ =	shalt  }
0x4d: {  	_ =	shalt  }
0x4e: {  	_ =	shalt  }
0x4f: {  	_ =	shalt  }
0x50: {  	_ =	shalt  }
0x51: {  	_ =	shalt  }
0x52: {  	_ =	shalt  }
0x53: {  	_ =	shalt  }
0x54: {  	_ =	shalt  }
0x55: {  	_ =	shalt  }
0x56: {  	_ =	shalt  }
0x57: {  	_ =	shalt  }
0x58: {  	_ =	shalt  }
0x59: {  	_ =	shalt  }
0x5a: {  	_ =	shalt  }
0x5b: {  	_ =	shalt  }
0x5c: {  	_ =	shalt  }
0x5d: {  	_ =	shalt  }
0x5e: {  	_ =	shalt  }
0x5f: {  	_ =	shalt  }
0x60: {  	_ =	shalt  }
0x61: {  	_ =	shalt  }
0x62: {  	_ =	shalt  }
0x63: {  	_ =	shalt  }
0x64: {  	_ =	shalt  }
0x65: {  	_ =	shalt  }
0x66: {  	_ =	shalt  }
0x67: {  	_ =	shalt  }
0x68: {  	_ =	shalt  }
0x69: {  	_ =	shalt  }
0x6a: {  	_ =	shalt  }
0x6b: {  	_ =	shalt  }
0x6c: {  	_ =	shalt  }
0x6d: {  	_ =	shalt  }
0x6e: {  	_ =	shalt  }
0x6f: {  	_ =	shalt  }
0x70: {  	_ =	shalt  }
0x71: {  	_ =	shalt  }
0x72: {  	_ =	shalt  }
0x73: {  	_ =	shalt  }
0x74: {  	_ =	shalt  }
0x75: {  	_ =	shalt  }
0x76: {  	_ =	shalt  }
0x77: {  	_ =	shalt  }
0x78: {  	_ =	shalt  }
0x79: {  	_ =	shalt  }
0x7a: {  	_ =	shalt  }
0x7b: {  	_ =	shalt  }
0x7c: {  	_ =	shalt  }
0x7d: {  	_ =	shalt  }
0x7e: {  	_ =	shalt  }
0x7f: {  	_ =	shalt  }
0x80: {  	_ =	shalt  }
0x81: {  	_ =	shalt  }
0x82: {  	_ =	shalt  }
0x83: {  	_ =	shalt  }
0x84: {  	_ =	shalt  }
0x85: {  	_ =	shalt  }
0x86: {  	_ =	shalt  }
0x87: {  	_ =	shalt  }
.Lfunc_end0:
.L_simem_size_0:
called_computation.1_lowered:
.L_overlay_start_0:
0x88: {  	s2 =	sld [smem:$0x3FD9]  }
0x89: {  	s3 =	sld [smem:$0x3FFE];
	_ =	sdelay $0x1  }
0x8a: {  	s1 =	srdreg.scid  }
0x8b: {  	s0 =	sand.u32 $0x1, s1  }
0x8c: {  	s14 =	sshll.u32 s0, $0xA;
	s2 =	sadd.s32 s3, s2  }
0x8d: {  	s2 =	sadd.s32 s2, s14  }
0x8e: {  	[smem:$0x3FC2] =	sst s2  }
0x8f: {  	_ = 	snop  }
0x90: {  	s2 =	sld [smem:$0x3FD0];
	_ =	sdelay $0x2  }
0x91: {  	s15 =	simm.s32 $0xA;
	s4 =	simm.s32 $0x10  }
0x92: {  	[smem:s4], [sflag:s15] =	dma.local [hbm:s2], $0x1  }
0x93: {  	_ =	swait.eq [sflag:s15], $0x1  }
0x94: {  	[sflag:s15] =	ssyncset.done $0x0  }
0x95: {  	s16 =	sld [smem:$0x10];
	[sflag:s15] =	ssyncadd.s32 $0xFFFFFFFF  }
0x96: {  	s17 =	sld [smem:$0x11];
	(tm) =	ssettm $0x1  }
0x97: {  	s18 =	sld [smem:$0x3FFB];
	_ =	sdelay $0x3  }
0x98: {  	_ =	strace s18  }
0x99: {  	s4 =	sld [smem:$0x3FFC];
	_ =	sdelay $0x3  }
0x9a: {  	_ =	strace s4  }
0x9b: {  	s4 =	sld [smem:$0x3FFD];
	_ =	sdelay $0x3  }
0x9c: {  	_ =	strace s4  }
0x9d: {  	_ =	strace $0x8FFFFFFF  }
0x9e: {  	s19 =	sld [smem:$0x3FDB];
	_ =	sdelay $0x1  }
0x9f: {  	s5 =	simm.s32 $_scs_section_size  }
0xa0: {  	s6 =	simm.s32 $_size__tile_overlayer_lowered;
	s7 =	simm.s32 $_tile_overlayer_lowered  }
0xa1: {  	s22 =	simm.s32 $0x1BFF;
	s21 =	sshll.u32 s7, $0x1;
	s4 =	sadd.s32 s5, s19  }
0xa2: {  	s8 =	simm.s32 $0x0;
	s20 =	sshll.u32 s6, $0x1;
	s6 =	sadd.s32 s21, s4  }
0xa3: {  	[timem:s8], [sflag:s22] =	dma.local [hbm:s6], s20  }
0xa4: {  	_ =	swait.ge [sflag:s22], s20  }
0xa5: {  	s5 =	ssub.s32 $0x0, s20;
	[sflag:s22] =	ssyncset.done $0x0  }
0xa6: {  	[sflag:s22] =	ssyncadd.s32 s5;
	_ =	sdelay $0x1  }
0xa7: {  	s23 =	simm.s32 $0x1B8B  }
0xa8: {  	_ =	swait.ge [sflag:s23], $0x1  }
0xa9: {  	[sflag:s23] =	ssyncset.done $0x0  }
0xaa: {  	s25 =	simm.s32 $0x1B8E;
	s24 =	sld [smem:$0x3FFE];
	[sflag:s23] =	ssyncadd.s32 $0xFFFFFFFF  }
0xab: {  	s26 =	simm.s32 $execute0_lowered;
	[smem:$0x3FD2] =	sst s25  }
0xac: {  	s6 =	sshll.u32 s26, $0x1;
	_ =	strace $0x80000049;
	[dreg:$0x1] =	wrdreg $0xFFFFFFFF  }
0xad: {  	s28 =	simm.s32 $_size_execute0_lowered;
	s4 =	sadd.s32 s4, s6;
	[dreg:$0x0] =	wrdreg $0x0  }
0xae: {  	s6 =	sshll.u32 s28, $0x1;
	[dreg:$0x2] =	wrdreg s4  }
0xaf: {  	[dreg:$0x3] =	wrdreg s6  }
0xb0: {  	[dreg:$0x4] =	wrdreg $0xC0  }
0xb1: {  	_ =	task [dreg:s8], $0x5FFFF  }
0xb2: {  	[dreg:$0x1] =	wrdreg $0xFFFFFFFF  }
0xb3: {  	[dreg:$0x0] =	wrdreg $0x60  }
0xb4: {  	[dreg:$0x2] =	wrdreg s17  }
0xb5: {  	[dreg:$0x3] =	wrdreg s24  }
0xb6: {  	[dreg:$0x4] =	wrdreg s16  }
0xb7: {  	[dreg:$0x5] =	wrdreg $0xB0000  }
0xb8: {  	[dreg:$0x6] =	wrdreg $0x9  }
0xb9: {  	_ =	task.clear_ibuf [dreg:s8], $0x7FFFF;
	_ =	strace $0x90000049  }
0xba: {  	s29 =	simm.s32 $0x9;
	_ =	strace $0x8000004B  }
0xbb: {  	_ =	swait.ge [sflag:s29], $0x1  }
0xbc: {  	[sflag:s29] =	ssyncadd.s32 $0xFFFFFFFF  }
0xbd: {  	_ =	strace $0x9000004B  }
0xbe: {  	_ =	sfence  }
0xbf: {  	s30 =	sld [smem:$0x0];
	_ =	sdelay $0x2  }
0xc0: {  	s31 =	sshll.u32 s1, $0xD;
	s1 =	sshrl.u32 s1, $0x2  }
0xc1: {  	s3 =	sand.u32 $0x4000, s31;
	s1 =	sadd.s32 s1, s30  }
0xc2: {  	s0 =	sor.u32 s3, s0;
	s1 =	sshll.u32 s1, $0x11  }
0xc3: {  	s0 =	sor.u32 s1, s0  }
0xc4: {  	s0 =	sadd.s32 $0x8F2B, s0  }
0xc5: {  	[sflag:s0] =	ssyncadd.remote.s32 $0x1  }
0xc6: {  	_ =	sfence.sel $0xFFFF  }
0xc7: {  	[dreg:$0x0] =	wrdreg $0xFFFFFFFF;
	(pc) =	sbr.abs _section_cstart, $3  }
0xc8: {  	[dreg:$0x1] =	wrdreg $0xFFFFFFFF  }
0xc9: {  	_ =	task.clear_ibuf [dreg:s8], $0x2FFFF;
	_ =	strace $0x9FFFFFFF  }
0xca: {  	(tm) =	ssettm $0x7FFFFFFF  }
0xcb: {  	_ =	shalt  }
tec
execute0_lowered:
.L_overlay_start_1:
0x0: {  	(tag) =	ssettag $0x1  }
0x1: {  	s1 =	rddreg [dreg:$0x0]  }
0x2: {  	s8 =	rddreg [dreg:$0x1]  }
0x3: {  	s11 =	rddreg [dreg:$0x2]  }
0x4: {  	s3 =	rddreg [dreg:$0x3]  }
0x5: {  	s0 =	rddreg [dreg:$0x4];
	s4 =	simm.s32 $0x0  }
0x6: {  	s2 =	stileid.u32;
	s6 =	srdreg.scid;
	s15 =	simm.s32 $0x80  }
0x7: {  	s16 =	simm.s32 $0x2A00;
	s17 =	simm.s32 $0x2C00;
	s18 =	simm.s32 $0x2A80  }
0x8: {  	s19 =	simm.s32 $0x6C00;
	s20 =	simm.s32 $0x1;
	s21 =	simm.s32 $0x2B00  }
0x9: {  	s22 =	simm.s32 $0x3;
	s23 =	simm.s32 $0x2;
	s24 =	simm.s32 $0x2B80  }
0xa: {  	s26 =	simm.s32 $0x0;
	[smem:$0x7FF] =	sst s4;
	s5 =	smul.u32 $0x540, s2  }
0xb: {  	s9 =	sand.u32 $0x1, s6;
	s12 =	smul.u32 $0x270, s2;
	s13 =	smin.u32 s2, $0x2  }
0xc: {  	p0 =	slt.u32 s2, $0x2;
	p1 =	sgt.u32 s2, $0xD;
	p3 =	sgt.u32 s2, $0x1  }
0xd: {  	_ =	strace $0x8000004A;
	s7 =	ssub.s32 $0x2, s9;
	s31 =	smul.u32 $0x138800, s9  }
0xe: {  	s30 =	sshll.u32 s13, $0x3;
	s25 =	smul.u32 $0x2710, s9;
	s9 =	simm.s32 $0x4F  }
0xf: {  	s13 =	simm.s32 $0xAC00;
	s29 =	sadd.s32 s5, s8;
	s5 =	sadd.s32 $0x1600, s8  }
0x10: {  	s10 =	sshrl.u32 s7, $0x1;
	s9 =	simm.s32 @!p0 $0x4E;
	p0 =	seq.s32 s2, $0xF  }
0x11: {  	s14 =	ssub.s32 s7, s10;
	s6 =	sadd.s32 $0x1C00, s29;
	s10 =	sadd.s32 s12, s30  }
0x12: {  	s7 =	sadd.s32 $0x16A0, s8;
	s8 =	sadd.s32 $0x6580, s8;
	s10 =	sshll.u32 s10, $0x7  }
0x13: {  	p2 =	sne.s32 @!p0 s2, $0xE;
	v0 =	vmov s25;
	s25 =	simm.s32 $0x4;
	s12 =	sadd.s32 s31, s10  }
0x14: {  	p2 =	por p2, p0;
	s10 =	sadd.s32 s10, s3;
	s12 =	sshrl.u32 s12, $0x3  }
0x15: {  	v1 =	vimm.f32 $0.0e+00;
	s11 =	sadd.s32 s11, s12;
	s12 =	smax.u32 s14, $0x1;
	s14 =	simm.s32 $0x5  }
.LBB2_1:
0x16: {  	s28 =	simm.s32 @!p1 $0x0  }
0x17: {  	[tilespmem:s28], [sflag:$0x6] =	stream.linear.gather @!p1 [hbm4b:s6+s28], $0x2A00, $0x38;
	[tilespmem:$0x1F880] =	vst v63  }
0x18: {  	s28 =	simm.s32 @!p1 $0x6  }
0x19: {  	_ =	swait.ge @!p1 [sflag:s28], $0x2A00  }
0x1a: {  	[sflag:s28] =	ssyncset.done @!p1 $0x0  }
0x1b: {  	[sflag:s28] =	ssyncadd.s32 @!p1 $0xFFFFD600;
	s28 =	simm.s32 @p0 $0x0  }
0x1c: {  	[tilespmem:s28], [sflag:$0x6] =	stream.linear.gather @p0 [hbm4b:s7+s28], $0x2A00, $0x38;
	[tilespmem:$0x1F880] =	vst v63  }
0x1d: {  	s28 =	simm.s32 @p0 $0x6  }
0x1e: {  	_ =	swait.ge @p0 [sflag:s28], $0x2A00  }
0x1f: {  	[sflag:s28] =	ssyncset.done @p0 $0x0  }
0x20: {  	s29 =	simm.s32 @!p2 $0x6;
	[sflag:s28] =	ssyncadd.s32 @p0 $0xFFFFD600;
	s28 =	simm.s32 @!p2 $0x0  }
0x21: {  	[tilespmem:s28], [sflag:$0x6] =	stream.linear.gather @!p2 [hbm4b:s8+s28], $0x2500, $0x38;
	[tilespmem:$0x1F880] =	vst v63  }
0x22: {  	_ =	swait.ge @!p2 [sflag:s29], $0x2500  }
0x23: {  	[sflag:s29] =	ssyncset.done @!p2 $0x0  }
0x24: {  	s30 =	simm.s32 @!p2 $0x2500;
	[sflag:s29] =	ssyncadd.s32 @!p2 $0xFFFFDB00  }
0x25: {  	[tilespmem:s30], [sflag:$0x6] =	stream.linear.gather @!p2 [hbm4b:s5+s28], $0x500, $0x38;
	[tilespmem:$0x1F880] =	vst v63  }
0x26: {  	_ =	swait.ge @!p2 [sflag:s29], $0x500  }
0x27: {  	s28 =	sand.u32 $0xE00, s4;
	[sflag:s29] =	ssyncset.done @!p2 $0x0  }
0x28: {  	s30 =	sshrl.u32 s28, $0x2;
	[sflag:s29] =	ssyncadd.s32 @!p2 $0xFFFFFB00;
	s29 =	sand.u32 $0x70, s4  }
0x29: {  	s28 =	simm.s32 $0x40;
	s30 =	sor.u32 s29, s30;
	s29 =	simm.s32 $0x0  }
.LBB2_2:
0x2a: {  	p4 =	sne.s32 s28, $0xFC0  }
0x2b: {  	[tilespmem:s30+$0xAC00] =	vst v1;
	s29 =	sadd.s32 $0x10, s29;
	s30 =	smov.u32 s28;
	s28 =	sadd.s32 $0x40, s28  }
.Ltmp0:
0x2c: {  	(pc) =	sbr.rel @p4 .LBB2_2-.Ltmp0, $4  }
0x2d: {  	_ = 	snop  }
0x2e: {  	s30 =	sand.u32 $0xE00, s30  }
0x2f: {  	s31 =	sand.u32 $0x70, s29;
	s30 =	sshrl.u32 s30, $0x2  }
0x30: {  	s30 =	sor.u32 s31, s30  }
0x31: {  	p4 =	sne.s32 s9, $0x1  }
.Ltmp1:
0x32: {  	_ = 	snop;
	(pc) =	sbr.rel @!p4 .LBB2_5-.Ltmp1, $3  }
0x33: {  	_ =	sdelay $0x1  }
0x34: {  	[tilespmem:s30+$0xAC00] =	vst v1;
	s28 =	sadd.s32 $0xFFFFFFFF, s9;
	s29 =	smov.u32 s10  }
0x35: {  	[spmem:s10] =	stream.linear.scatter [tilespmem:s13], [sflag:$0x5], $0x400, $0x38;
	[tilespmem:$0x1F880] =	vst v63  }
.LBB2_4:
0x36: {  	p5 =	sne.s32 s28, $0x1  }
.Ltmp2:
0x37: {  	_ = 	snop;
	(pc) =	sbr.rel @p5 .LBB2_4-.Ltmp2, $3  }
0x38: {  	_ = 	snop  }
0x39: {  	s28 =	sadd.s32 $0xFFFFFFFF, s28;
	s29 =	sadd.s32 $0x400, s29;
	_ =	sdelay $0x1  }
0x3a: {  	[spmem:s29] =	stream.linear.scatter [tilespmem:s13], [sflag:$0x5], $0x400, $0x38;
	[tilespmem:$0x1F880] =	vst v63  }
.LBB2_5:
.Ltmp3:
0x3b: {  	(pc) =	sbr.rel @!p4 .LBB2_7-.Ltmp3, $3  }
0x3c: {  	_ =	sdelay $0x1  }
0x3d: {  	_ =	swait.ge [sflag:s14], $0x400  }
0x3e: {  	s28 =	sadd.s32 $0xFFFFFFFF, s9;
	[sflag:s14] =	ssyncset.done $0x0  }
.LBB2_6:
0x3f: {  	p4 =	sne.s32 s28, $0x1;
	s28 =	sadd.s32 $0xFFFFFFFF, s28;
	[sflag:s14] =	ssyncadd.s32 $0xFFFFFC00  }
.Ltmp4:
0x40: {  	(pc) =	sbr.rel @p4 .LBB2_6-.Ltmp4, $3  }
0x41: {  	_ =	sdelay $0x1  }
0x42: {  	_ =	swait.ge [sflag:s14], $0x400  }
0x43: {  	[sflag:s14] =	ssyncset.done $0x0  }
.LBB2_7:
0x44: {  	[sflag:s14] =	ssyncadd.s32 $0xFFFFFC00  }
0x45: {  	[bflag:$0x0] =	sbarrier.arrive $0xFFFF  }
0x46: {  	v2 =	vld [tilespmem:$0x0]  }
0x47: {  	v3 =	vld [tilespmem:$0x10];
	_ =	sdelay $0x1  }
0x48: {  	v4 =	vld [tilespmem:$0x20];
	_ =	sdelay $0x1  }
0x49: {  	v6 =	vld [tilespmem:$0x30];
	v5 =	vand.u32 $0x3FFF, v2;
	v2 =	vshrl.u32 v2, $0xE  }
0x4a: {  	v47 =	vand.u32 $0x3FFF, v3;
	v5 =	vadd.s32 v0, v5;
	[tilespmem:$0x2B00] =	vst v2  }
0x4b: {  	v48 =	vld [tilespmem:$0x40];
	v2 =	vadd.s32 v0, v47;
	[tilespmem:$0x2A00] =	vst v5  }
0x4c: {  	[tilespmem:$0x2A10] =	vst v2;
	v2 =	vshrl.u32 v3, $0xE;
	v3 =	vand.u32 $0x3FFF, v4  }
0x4d: {  	[tilespmem:$0x2B10] =	vst v2;
	v2 =	vadd.s32 v0, v3;
	v3 =	vld [tilespmem:$0x50]  }
0x4e: {  	v49 =	vand.u32 $0x3FFF, v6;
	[tilespmem:$0x2A20] =	vst v2;
	v2 =	vshrl.u32 v4, $0xE  }
0x4f: {  	v50 =	vld [tilespmem:$0x60];
	[tilespmem:$0x2B20] =	vst v2;
	v2 =	vadd.s32 v0, v49  }
0x50: {  	v51 =	vand.u32 $0x3FFF, v48;
	[tilespmem:$0x2A30] =	vst v2;
	v2 =	vshrl.u32 v6, $0xE  }
0x51: {  	v52 =	vld [tilespmem:$0x70];
	[tilespmem:$0x2B30] =	vst v2;
	v2 =	vadd.s32 v0, v51  }
0x52: {  	[tilespmem:$0x2A40] =	vst v2;
	v2 =	vshrl.u32 v48, $0xE;
	v53 =	vand.u32 $0x3FFF, v3  }
0x53: {  	[tilespmem:$0x2B40] =	vst v2;
	v2 =	vadd.s32 v0, v53  }
0x54: {  	[tilespmem:$0x2A50] =	vst v2;
	v2 =	vshrl.u32 v3, $0xE;
	v3 =	vand.u32 $0x3FFF, v50  }
0x55: {  	[tilespmem:$0x2B50] =	vst v2;
	v2 =	vadd.s32 v0, v3  }
0x56: {  	v3 =	vand.u32 $0x3FFF, v52;
	[tilespmem:$0x2A60] =	vst v2;
	v2 =	vshrl.u32 v50, $0xE  }
0x57: {  	[tilespmem:$0x2B60] =	vst v2;
	v2 =	vadd.s32 v0, v3  }
0x58: {  	[tilespmem:$0x2A70] =	vst v2;
	v2 =	vshrl.u32 v52, $0xE  }
0x59: {  	[tilespmem:$0x2B70] =	vst v2  }
0x5a: {  	[tilespmem:s17], [sflag:$0x1] =	stream.indirect.gather [hbm4b:s1+s15], $0x80, s16, s15, $0xb8;
	[tilespmem:$0x1F880] =	vst v63  }
0x5b: {  	v2 =	vld [tilespmem:$0x80]  }
0x5c: {  	v3 =	vld [tilespmem:$0x90];
	_ =	sdelay $0x1  }
0x5d: {  	v54 =	vld [tilespmem:$0xA0];
	_ =	sdelay $0x1  }
0x5e: {  	v56 =	vld [tilespmem:$0xB0];
	v55 =	vand.u32 $0x3FFF, v2;
	v2 =	vshrl.u32 v2, $0xE  }
0x5f: {  	v57 =	vand.u32 $0x3FFF, v3;
	v5 =	vadd.s32 v0, v55;
	[tilespmem:$0x2B80] =	vst v2  }
0x60: {  	v58 =	vld [tilespmem:$0xC0];
	v2 =	vadd.s32 v0, v57;
	[tilespmem:$0x2A80] =	vst v5  }
0x61: {  	[tilespmem:$0x2A90] =	vst v2;
	v2 =	vshrl.u32 v3, $0xE;
	v3 =	vand.u32 $0x3FFF, v54  }
0x62: {  	[tilespmem:$0x2B90] =	vst v2;
	v2 =	vadd.s32 v0, v3;
	v3 =	vld [tilespmem:$0xD0]  }
0x63: {  	v59 =	vand.u32 $0x3FFF, v56;
	[tilespmem:$0x2AA0] =	vst v2;
	v2 =	vshrl.u32 v54, $0xE  }
0x64: {  	v60 =	vld [tilespmem:$0xE0];
	[tilespmem:$0x2BA0] =	vst v2;
	v2 =	vadd.s32 v0, v59  }
0x65: {  	v61 =	vand.u32 $0x3FFF, v58;
	[tilespmem:$0x2AB0] =	vst v2;
	v2 =	vshrl.u32 v56, $0xE  }
0x66: {  	v62 =	vld [tilespmem:$0xF0];
	[tilespmem:$0x2BB0] =	vst v2;
	v2 =	vadd.s32 v0, v61  }
0x67: {  	[tilespmem:$0x2AC0] =	vst v2;
	v2 =	vshrl.u32 v58, $0xE;
	v63 =	vand.u32 $0x3FFF, v3  }
0x68: {  	[tilespmem:$0x2BC0] =	vst v2;
	v2 =	vadd.s32 v0, v63  }
0x69: {  	[tilespmem:$0x2AD0] =	vst v2;
	v2 =	vshrl.u32 v3, $0xE;
	v3 =	vand.u32 $0x3FFF, v60  }
0x6a: {  	[tilespmem:$0x2BD0] =	vst v2;
	v2 =	vadd.s32 v0, v3  }
0x6b: {  	v3 =	vand.u32 $0x3FFF, v62;
	[tilespmem:$0x2AE0] =	vst v2;
	v2 =	vshrl.u32 v60, $0xE  }
0x6c: {  	[tilespmem:$0x2BE0] =	vst v2;
	v2 =	vadd.s32 v0, v3  }
0x6d: {  	[tilespmem:$0x2AF0] =	vst v2;
	v2 =	vshrl.u32 v62, $0xE  }
0x6e: {  	[tilespmem:$0x2BF0] =	vst v2  }
0x6f: {  	[tilespmem:s19], [sflag:$0x2] =	stream.indirect.gather [hbm4b:s1+s15], $0x80, s18, s15, $0xb8;
	[tilespmem:$0x1F880] =	vst v63  }
0x70: {  	_ =	swait.ge [sflag:s20], $0x4000  }
0x71: {  	[sflag:s20] =	ssyncset.done $0x0  }
0x72: {  	[sflag:s20] =	ssyncadd.s32 $0xFFFFC000  }
0x73: {  	[spmem:s3] =	stream.indirect.scatter.add.f32 [tilespmem:s17], [sflag:$0x3], $0x80, s21, s15, $0xb8;
	[tilespmem:$0x1F880] =	vst v63  }
0x74: {  	_ =	swait.ge [sflag:s22], $0x4000  }
0x75: {  	[sflag:s22] =	ssyncset.done $0x0  }
0x76: {  	s28 =	simm.s32 $0x0;
	[sflag:s22] =	ssyncadd.s32 $0xFFFFC000  }
0x77: {  	v2 =	vld [tilespmem:s28+$0x100];
	_ =	sdelay $0x4  }
0x78: {  	v3 =	vand.u32 $0x3FFF, v2;
	v2 =	vshrl.u32 v2, $0xE  }
0x79: {  	v3 =	vadd.s32 v0, v3;
	[tilespmem:$0x2B00] =	vst v2  }
0x7a: {  	[tilespmem:$0x2A00] =	vst v3  }
0x7b: {  	v2 =	vld [tilespmem:s28+$0x110];
	_ =	sdelay $0x4  }
0x7c: {  	v3 =	vand.u32 $0x3FFF, v2;
	v2 =	vshrl.u32 v2, $0xE  }
0x7d: {  	v3 =	vadd.s32 v0, v3;
	[tilespmem:$0x2B10] =	vst v2  }
0x7e: {  	[tilespmem:$0x2A10] =	vst v3  }
0x7f: {  	v2 =	vld [tilespmem:s28+$0x120];
	_ =	sdelay $0x4  }
0x80: {  	v3 =	vand.u32 $0x3FFF, v2;
	v2 =	vshrl.u32 v2, $0xE  }
0x81: {  	v3 =	vadd.s32 v0, v3;
	[tilespmem:$0x2B20] =	vst v2  }
0x82: {  	[tilespmem:$0x2A20] =	vst v3  }
0x83: {  	v2 =	vld [tilespmem:s28+$0x130];
	_ =	sdelay $0x4  }
0x84: {  	v3 =	vand.u32 $0x3FFF, v2;
	v2 =	vshrl.u32 v2, $0xE  }
0x85: {  	v3 =	vadd.s32 v0, v3;
	[tilespmem:$0x2B30] =	vst v2  }
0x86: {  	[tilespmem:$0x2A30] =	vst v3  }
0x87: {  	v2 =	vld [tilespmem:s28+$0x140];
	_ =	sdelay $0x4  }
0x88: {  	v3 =	vand.u32 $0x3FFF, v2;
	v2 =	vshrl.u32 v2, $0xE  }
0x89: {  	v3 =	vadd.s32 v0, v3;
	[tilespmem:$0x2B40] =	vst v2  }
0x8a: {  	[tilespmem:$0x2A40] =	vst v3  }
0x8b: {  	v2 =	vld [tilespmem:s28+$0x150];
	_ =	sdelay $0x4  }
0x8c: {  	v3 =	vand.u32 $0x3FFF, v2;
	v2 =	vshrl.u32 v2, $0xE  }
0x8d: {  	v3 =	vadd.s32 v0, v3;
	[tilespmem:$0x2B50] =	vst v2  }
0x8e: {  	[tilespmem:$0x2A50] =	vst v3  }
0x8f: {  	v2 =	vld [tilespmem:s28+$0x160];
	_ =	sdelay $0x4  }
0x90: {  	v3 =	vand.u32 $0x3FFF, v2;
	v2 =	vshrl.u32 v2, $0xE  }
0x91: {  	v3 =	vadd.s32 v0, v3;
	[tilespmem:$0x2B60] =	vst v2  }
0x92: {  	[tilespmem:$0x2A60] =	vst v3  }
0x93: {  	v2 =	vld [tilespmem:s28+$0x170];
	_ =	sdelay $0x4  }
0x94: {  	v3 =	vand.u32 $0x3FFF, v2;
	v2 =	vshrl.u32 v2, $0xE  }
0x95: {  	v3 =	vadd.s32 v0, v3;
	[tilespmem:$0x2B70] =	vst v2  }
0x96: {  	[tilespmem:$0x2A70] =	vst v3  }
0x97: {  	[tilespmem:s17], [sflag:$0x1] =	stream.indirect.gather [hbm4b:s1+s15], $0x80, s16, s15, $0xb8;
	[tilespmem:$0x1F880] =	vst v63  }
0x98: {  	_ =	swait.ge [sflag:s23], $0x4000  }
0x99: {  	[sflag:s23] =	ssyncset.done $0x0  }
0x9a: {  	[sflag:s23] =	ssyncadd.s32 $0xFFFFC000  }
0x9b: {  	[spmem:s3] =	stream.indirect.scatter.add.f32 [tilespmem:s19], [sflag:$0x4], $0x80, s24, s15, $0xb8;
	[tilespmem:$0x1F880] =	vst v63  }
0x9c: {  	_ =	swait.ge [sflag:s25], $0x4000  }
0x9d: {  	[sflag:s25] =	ssyncset.done $0x0  }
0x9e: {  	[sflag:s25] =	ssyncadd.s32 $0xFFFFC000  }
0x9f: {  	v2 =	vld [tilespmem:s28+$0x180];
	_ =	sdelay $0x4  }
0xa0: {  	v3 =	vand.u32 $0x3FFF, v2;
	v2 =	vshrl.u32 v2, $0xE  }
0xa1: {  	v3 =	vadd.s32 v0, v3;
	[tilespmem:$0x2B80] =	vst v2  }
0xa2: {  	[tilespmem:$0x2A80] =	vst v3  }
0xa3: {  	v2 =	vld [tilespmem:s28+$0x190];
	_ =	sdelay $0x4  }
0xa4: {  	v3 =	vand.u32 $0x3FFF, v2;
	v2 =	vshrl.u32 v2, $0xE  }
0xa5: {  	v3 =	vadd.s32 v0, v3;
	[tilespmem:$0x2B90] =	vst v2  }
0xa6: {  	[tilespmem:$0x2A90] =	vst v3  }
0xa7: {  	v2 =	vld [tilespmem:s28+$0x1A0];
	_ =	sdelay $0x4  }
0xa8: {  	v3 =	vand.u32 $0x3FFF, v2;
	v2 =	vshrl.u32 v2, $0xE  }
0xa9: {  	v3 =	vadd.s32 v0, v3;
	[tilespmem:$0x2BA0] =	vst v2  }
0xaa: {  	[tilespmem:$0x2AA0] =	vst v3  }
0xab: {  	v2 =	vld [tilespmem:s28+$0x1B0];
	_ =	sdelay $0x4  }
0xac: {  	v3 =	vand.u32 $0x3FFF, v2;
	v2 =	vshrl.u32 v2, $0xE  }
0xad: {  	v3 =	vadd.s32 v0, v3;
	[tilespmem:$0x2BB0] =	vst v2  }
0xae: {  	[tilespmem:$0x2AB0] =	vst v3  }
0xaf: {  	v2 =	vld [tilespmem:s28+$0x1C0];
	_ =	sdelay $0x4  }
0xb0: {  	v3 =	vand.u32 $0x3FFF, v2;
	v2 =	vshrl.u32 v2, $0xE  }
0xb1: {  	v3 =	vadd.s32 v0, v3;
	[tilespmem:$0x2BC0] =	vst v2  }
0xb2: {  	[tilespmem:$0x2AC0] =	vst v3  }
0xb3: {  	v2 =	vld [tilespmem:s28+$0x1D0];
	_ =	sdelay $0x4  }
0xb4: {  	v3 =	vand.u32 $0x3FFF, v2;
	v2 =	vshrl.u32 v2, $0xE  }
0xb5: {  	v3 =	vadd.s32 v0, v3;
	[tilespmem:$0x2BD0] =	vst v2  }
0xb6: {  	[tilespmem:$0x2AD0] =	vst v3  }
0xb7: {  	v2 =	vld [tilespmem:s28+$0x1E0];
	_ =	sdelay $0x4  }
0xb8: {  	v3 =	vand.u32 $0x3FFF, v2;
	v2 =	vshrl.u32 v2, $0xE  }
0xb9: {  	v3 =	vadd.s32 v0, v3;
	[tilespmem:$0x2BE0] =	vst v2  }
0xba: {  	[tilespmem:$0x2AE0] =	vst v3  }
0xbb: {  	v2 =	vld [tilespmem:s28+$0x1F0];
	_ =	sdelay $0x4  }
0xbc: {  	v3 =	vand.u32 $0x3FFF, v2;
	v2 =	vshrl.u32 v2, $0xE  }
0xbd: {  	v3 =	vadd.s32 v0, v3;
	[tilespmem:$0x2BF0] =	vst v2  }
0xbe: {  	[tilespmem:$0x2AF0] =	vst v3  }
0xbf: {  	[tilespmem:s19], [sflag:$0x2] =	stream.indirect.gather [hbm4b:s1+s15], $0x80, s18, s15, $0xb8;
	[tilespmem:$0x1F880] =	vst v63  }
0xc0: {  	_ =	swait.ge [sflag:s20], $0x4000  }
0xc1: {  	[sflag:s20] =	ssyncset.done $0x0  }
0xc2: {  	s28 =	simm.s32 $0x400;
	[sflag:s20] =	ssyncadd.s32 $0xFFFFC000  }
.LBB2_8:
0xc3: {  	[spmem:s3] =	stream.indirect.scatter.add.f32 [tilespmem:s17], [sflag:$0x3], $0x80, s21, s15, $0xb8;
	[tilespmem:$0x1F880] =	vst v63  }
0xc4: {  	s29 =	smov.u32 s28  }
0xc5: {  	p4 =	sne.s32 s28, $0xA000;
	s28 =	sadd.s32 $0x400, s28;
	_ =	swait.ge [sflag:s22], $0x4000  }
0xc6: {  	[sflag:s22] =	ssyncset.done $0x0  }
0xc7: {  	s29 =	sshra.s32 s29, $0x2;
	[sflag:s22] =	ssyncadd.s32 $0xFFFFC000  }
0xc8: {  	v2 =	vld [tilespmem:s29+$0x100];
	_ =	sdelay $0x4  }
0xc9: {  	v3 =	vand.u32 $0x3FFF, v2;
	v2 =	vshrl.u32 v2, $0xE  }
0xca: {  	v3 =	vadd.s32 v0, v3;
	[tilespmem:$0x2B00] =	vst v2  }
0xcb: {  	[tilespmem:$0x2A00] =	vst v3  }
0xcc: {  	v2 =	vld [tilespmem:s29+$0x110];
	_ =	sdelay $0x4  }
0xcd: {  	v3 =	vand.u32 $0x3FFF, v2;
	v2 =	vshrl.u32 v2, $0xE  }
0xce: {  	v3 =	vadd.s32 v0, v3;
	[tilespmem:$0x2B10] =	vst v2  }
0xcf: {  	[tilespmem:$0x2A10] =	vst v3  }
0xd0: {  	v2 =	vld [tilespmem:s29+$0x120];
	_ =	sdelay $0x4  }
0xd1: {  	v3 =	vand.u32 $0x3FFF, v2;
	v2 =	vshrl.u32 v2, $0xE  }
0xd2: {  	v3 =	vadd.s32 v0, v3;
	[tilespmem:$0x2B20] =	vst v2  }
0xd3: {  	[tilespmem:$0x2A20] =	vst v3  }
0xd4: {  	v2 =	vld [tilespmem:s29+$0x130];
	_ =	sdelay $0x4  }
0xd5: {  	v3 =	vand.u32 $0x3FFF, v2;
	v2 =	vshrl.u32 v2, $0xE  }
0xd6: {  	v3 =	vadd.s32 v0, v3;
	[tilespmem:$0x2B30] =	vst v2  }
0xd7: {  	[tilespmem:$0x2A30] =	vst v3  }
0xd8: {  	v2 =	vld [tilespmem:s29+$0x140];
	_ =	sdelay $0x4  }
0xd9: {  	v3 =	vand.u32 $0x3FFF, v2;
	v2 =	vshrl.u32 v2, $0xE  }
0xda: {  	v3 =	vadd.s32 v0, v3;
	[tilespmem:$0x2B40] =	vst v2  }
0xdb: {  	[tilespmem:$0x2A40] =	vst v3  }
0xdc: {  	v2 =	vld [tilespmem:s29+$0x150];
	_ =	sdelay $0x4  }
0xdd: {  	v3 =	vand.u32 $0x3FFF, v2;
	v2 =	vshrl.u32 v2, $0xE  }
0xde: {  	v3 =	vadd.s32 v0, v3;
	[tilespmem:$0x2B50] =	vst v2  }
0xdf: {  	[tilespmem:$0x2A50] =	vst v3  }
0xe0: {  	v2 =	vld [tilespmem:s29+$0x160];
	_ =	sdelay $0x4  }
0xe1: {  	v3 =	vand.u32 $0x3FFF, v2;
	v2 =	vshrl.u32 v2, $0xE  }
0xe2: {  	v3 =	vadd.s32 v0, v3;
	[tilespmem:$0x2B60] =	vst v2  }
0xe3: {  	[tilespmem:$0x2A60] =	vst v3  }
0xe4: {  	v2 =	vld [tilespmem:s29+$0x170];
	_ =	sdelay $0x4  }
0xe5: {  	v3 =	vand.u32 $0x3FFF, v2;
	v2 =	vshrl.u32 v2, $0xE  }
0xe6: {  	v3 =	vadd.s32 v0, v3;
	[tilespmem:$0x2B70] =	vst v2  }
0xe7: {  	[tilespmem:$0x2A70] =	vst v3  }
0xe8: {  	[tilespmem:s17], [sflag:$0x1] =	stream.indirect.gather [hbm4b:s1+s15], $0x80, s16, s15, $0xb8;
	[tilespmem:$0x1F880] =	vst v63  }
0xe9: {  	_ =	swait.ge [sflag:s23], $0x4000  }
0xea: {  	[sflag:s23] =	ssyncset.done $0x0  }
0xeb: {  	[sflag:s23] =	ssyncadd.s32 $0xFFFFC000  }
0xec: {  	[spmem:s3] =	stream.indirect.scatter.add.f32 [tilespmem:s19], [sflag:$0x4], $0x80, s24, s15, $0xb8;
	[tilespmem:$0x1F880] =	vst v63  }
0xed: {  	_ =	swait.ge [sflag:s25], $0x4000  }
0xee: {  	[sflag:s25] =	ssyncset.done $0x0  }
0xef: {  	[sflag:s25] =	ssyncadd.s32 $0xFFFFC000  }
0xf0: {  	v2 =	vld [tilespmem:s29+$0x180];
	_ =	sdelay $0x4  }
0xf1: {  	v3 =	vand.u32 $0x3FFF, v2;
	v2 =	vshrl.u32 v2, $0xE  }
0xf2: {  	v3 =	vadd.s32 v0, v3;
	[tilespmem:$0x2B80] =	vst v2  }
0xf3: {  	[tilespmem:$0x2A80] =	vst v3  }
0xf4: {  	v2 =	vld [tilespmem:s29+$0x190];
	_ =	sdelay $0x4  }
0xf5: {  	v3 =	vand.u32 $0x3FFF, v2;
	v2 =	vshrl.u32 v2, $0xE  }
0xf6: {  	v3 =	vadd.s32 v0, v3;
	[tilespmem:$0x2B90] =	vst v2  }
0xf7: {  	[tilespmem:$0x2A90] =	vst v3  }
0xf8: {  	v2 =	vld [tilespmem:s29+$0x1A0];
	_ =	sdelay $0x4  }
0xf9: {  	v3 =	vand.u32 $0x3FFF, v2;
	v2 =	vshrl.u32 v2, $0xE  }
0xfa: {  	v3 =	vadd.s32 v0, v3;
	[tilespmem:$0x2BA0] =	vst v2  }
0xfb: {  	[tilespmem:$0x2AA0] =	vst v3  }
0xfc: {  	v2 =	vld [tilespmem:s29+$0x1B0];
	_ =	sdelay $0x4  }
0xfd: {  	v3 =	vand.u32 $0x3FFF, v2;
	v2 =	vshrl.u32 v2, $0xE  }
0xfe: {  	v3 =	vadd.s32 v0, v3;
	[tilespmem:$0x2BB0] =	vst v2  }
0xff: {  	[tilespmem:$0x2AB0] =	vst v3  }
0x100: {  	v2 =	vld [tilespmem:s29+$0x1C0];
	_ =	sdelay $0x4  }
0x101: {  	v3 =	vand.u32 $0x3FFF, v2;
	v2 =	vshrl.u32 v2, $0xE  }
0x102: {  	v3 =	vadd.s32 v0, v3;
	[tilespmem:$0x2BC0] =	vst v2  }
0x103: {  	[tilespmem:$0x2AC0] =	vst v3  }
0x104: {  	v2 =	vld [tilespmem:s29+$0x1D0];
	_ =	sdelay $0x4  }
0x105: {  	v3 =	vand.u32 $0x3FFF, v2;
	v2 =	vshrl.u32 v2, $0xE  }
0x106: {  	v3 =	vadd.s32 v0, v3;
	[tilespmem:$0x2BD0] =	vst v2  }
0x107: {  	[tilespmem:$0x2AD0] =	vst v3  }
0x108: {  	v2 =	vld [tilespmem:s29+$0x1E0];
	_ =	sdelay $0x4  }
0x109: {  	v3 =	vand.u32 $0x3FFF, v2;
	v2 =	vshrl.u32 v2, $0xE  }
0x10a: {  	v3 =	vadd.s32 v0, v3;
	[tilespmem:$0x2BE0] =	vst v2  }
0x10b: {  	[tilespmem:$0x2AE0] =	vst v3  }
0x10c: {  	v2 =	vld [tilespmem:s29+$0x1F0];
	_ =	sdelay $0x4  }
0x10d: {  	v3 =	vand.u32 $0x3FFF, v2;
	v2 =	vshrl.u32 v2, $0xE  }
0x10e: {  	v3 =	vadd.s32 v0, v3;
	[tilespmem:$0x2BF0] =	vst v2  }
.Ltmp5:
0x10f: {  	[tilespmem:$0x2AF0] =	vst v3;
	(pc) =	sbr.rel @p4 .LBB2_8-.Ltmp5, $4  }
0x110: {  	[tilespmem:s19], [sflag:$0x2] =	stream.indirect.gather [hbm4b:s1+s15], $0x80, s18, s15, $0xb8;
	[tilespmem:$0x1F880] =	vst v63  }
0x111: {  	_ =	swait.ge [sflag:s20], $0x4000  }
0x112: {  	[sflag:s20] =	ssyncset.done $0x0  }
0x113: {  	[sflag:s20] =	ssyncadd.s32 $0xFFFFC000  }
0x114: {  	[spmem:s3] =	stream.indirect.scatter.add.f32 [tilespmem:s17], [sflag:$0x3], $0x80, s21, s15, $0xb8;
	[tilespmem:$0x1F880] =	vst v63  }
0x115: {  	_ =	swait.ge [sflag:s23], $0x4000  }
0x116: {  	[sflag:s23] =	ssyncset.done $0x0  }
0x117: {  	[sflag:s23] =	ssyncadd.s32 $0xFFFFC000  }
0x118: {  	[spmem:s3] =	stream.indirect.scatter.add.f32 [tilespmem:s19], [sflag:$0x4], $0x80, s24, s15, $0xb8;
	[tilespmem:$0x1F880] =	vst v63  }
0x119: {  	_ =	swait.ge [sflag:s22], $0x4000  }
0x11a: {  	[sflag:s22] =	ssyncset.done $0x0  }
0x11b: {  	[sflag:s22] =	ssyncadd.s32 $0xFFFFC000  }
0x11c: {  	_ =	swait.ge [sflag:s25], $0x4000  }
0x11d: {  	[sflag:s25] =	ssyncset.done $0x0  }
0x11e: {  	s28 =	sshll.u32 s2, $0x6;
	[sflag:s25] =	ssyncadd.s32 $0xFFFFC000  }
0x11f: {  	s29 =	sshrl.u32 @p3 s10, $0x3;
	s28 =	sor.u32 $0x1C06, s28;
	[bflag:$0x0] =	sbarrier.arrive $0xFFFF  }
0x120: {  	[hbm:s11], [sflag:s28] =	dma.local @p3 [spmem:s29], $0x2700  }
0x121: {  	s29 =	simm.s32 @p3 $0x6  }
0x122: {  	_ =	swait.ge @p3 [sflag:s29], $0x2700  }
0x123: {  	s26 =	sadd.s32 $0x1, s26;
	[sflag:s29] =	ssyncset.done @p3 $0x0  }
0x124: {  	p4 =	sne.s32 s26, s12;
	[sflag:s29] =	ssyncadd.s32 @p3 $0xFFFFD900;
	s29 =	sshrl.u32 @!p3 s10, $0x3  }
0x125: {  	[hbm:s11], [sflag:s28] =	dma.local @!p3 [spmem:s29], $0x2780  }
.Ltmp6:
0x126: {  	_ = 	snop;
	(pc) =	sbr.rel @p4 .LBB2_1-.Ltmp6, $4  }
0x127: {  	s28 =	simm.s32 @!p3 $0x6  }
0x128: {  	_ =	swait.ge @!p3 [sflag:s28], $0x2780  }
0x129: {  	[sflag:s28] =	ssyncset.done @!p3 $0x0  }
0x12a: {  	[sflag:s28] =	ssyncadd.s32 @!p3 $0xFFFFD880  }
0x12b: {  	_ =	sfence.sel $0x180000  }
0x12c: {  	[bflag:$0x0] =	sbarrier.arrive $0xFFFF  }
0x12d: {  	p0 =	sne.s32 s2, $0x0;
	_ =	strace $0x9000004A  }
0x12e: {  	s0 =	sadd.s32 @!p0 $0x100000, s0;
	[bflag:$0x2] =	sbarrier.arrive $0xFFFF  }
0x12f: {  	[sflag:s0] =	ssyncadd.tile.s32 @!p0 $0x1;
	_ =	shalt  }
.Lfunc_end2:
_tile_overlayer_lowered:
.L_overlay_start_2:
0x130: {  	(tag) =	ssettag $0x2  }
0x131: {  	s0 =	rddreg [dreg:$0x0];
	s2 =	stileid.u32  }
0x132: {  	s1 =	rddreg [dreg:$0x1];
	p0 =	sne.s32 s2, $0x0  }
0x133: {  	s3 =	rddreg [dreg:$0x2];
	[bflag:$0x3] =	sbarrier.arrive $0xFFFF;
	s2 =	simm.s32 @!p0 $0x1C06  }
0x134: {  	[timem:s3], [sflag:s2] =	dma.local @!p0 [hbm:s0], s1  }
0x135: {  	s0 =	simm.s32 @!p0 $0x6  }
0x136: {  	_ =	swait.ge @!p0 [sflag:s0], s1  }
0x137: {  	s1 =	ssub.s32 @!p0 $0x0, s1;
	[sflag:s0] =	ssyncset.done @!p0 $0x0  }
0x138: {  	[sflag:s0] =	ssyncadd.s32 @!p0 s1  }
0x139: {  	[bflag:$0x3] =	sbarrier.arrive $0xFFFF  }
0x13a: {  	_ =	shalt  }

// kernel: kernel.7.cloned.1.call-start
scs
__scs_entry_jumppad:
0x0: {  	(pc) =	sbr.rel $0x88, $3  }
0x1: {  	(tag) =	ssettag $0x0;
	lr =	simm.s32 $0x1  }
0x2: {  	[smem:$0x3F9B] =	sst lr;
	_ =	strace $0xD0000000  }
0x3: {  	_ = 	snop  }
0x4: {  	_ = 	snop  }
0x5: {  	_ = 	snop  }
0x6: {  	_ = 	snop  }
0x7: {  	_ = 	snop  }
__scs_overlays_trampoline_lowered:
0x8: {  	[smem:$0x3FAA] =	sst s0  }
0x9: {  	[smem:$0x3FAB] =	sst s1  }
0xa: {  	[smem:$0x3FAC] =	sst s2  }
0xb: {  	[smem:$0x3FAD] =	sst s3  }
0xc: {  	[smem:$0x3FAE] =	sst s4  }
0xd: {  	[smem:$0x3FAF] =	sst s5  }
0xe: {  	[smem:$0x3FB0] =	sst s6  }
0xf: {  	[smem:$0x3FB1] =	sst s7  }
0x10: {  	[smem:$0x3FB2] =	sst s8  }
0x11: {  	[smem:$0x3FB3] =	sst s9;
	s0 =	simm.s32 @!p0 $0x0  }
0x12: {  	s1 =	sld [smem:$0x3F99];
	s0 =	simm.s32 @p0 $0x1  }
0x13: {  	[smem:$0x3FB4] =	sst s0;
	s0 =	simm.s32 @!p1 $0x0  }
0x14: {  	s2 =	sld [smem:$0x3F98];
	s0 =	simm.s32 @p1 $0x1  }
0x15: {  	[smem:$0x3FB5] =	sst s0;
	s0 =	simm.s32 @!p2 $0x0  }
0x16: {  	s3 =	sld [smem:$0x3FDB];
	s0 =	simm.s32 @p2 $0x1  }
0x17: {  	s4 =	simm.s32 $0x1BF5;
	[smem:$0x3FB7] =	sst s0  }
0x18: {  	s0 =	sld [smem:$0x3F9A];
	_ =	swait.ge [sflag:s4], $0x0  }
0x19: {  	s7 =	sld [smem:$0x3F9B]  }
0x1a: {  	s8 =	sadd.s32 $0xFFFFE003, lr  }
0x1b: {  	s9 =	sadd.s32 $0xFFFFFEF7, lr;
	s5 =	simm.s32 $0xFFFFFFFF;
	p2 =	slt.u32 s8, $0xFFFFF086  }
0x1c: {  	p1 =	slt.u32 s9, $0xF7A;
	s5 =	simm.s32 @!p2 $0x0  }
0x1d: {  	s5 =	simm.s32 @p1 $0x1;
	p0 =	seq.s32 s7, s2  }
0x1e: {  	s7 =	smul.u32 @!p0 $0xF7A, s2;
	p2 =	seq.s32 @!p0 s5, $0x0  }
0x1f: {  	s9 =	smul.u32 $0xF7A, s1;
	s8 =	simm.s32 @!p0 $0x1BF5;
	p2 =	por !p2, p0  }
0x20: {  	[sflag:s8] =	ssyncset.s32 @!p0 $0xFFFFF086;
	s6 =	sadd.s32 @!p0 s3, s7;
	s7 =	simm.s32 @!p0 $0x108  }
0x21: {  	s3 =	sadd.s32 s3, s9;
	s6 =	sadd.s32 @!p0 $0x88, s6;
	s7 =	simm.s32 @p2 $0x1082  }
0x22: {  	[simem:s7], [sflag:s8] =	dma.local @!p0 [hbm:s6], $0xF7A  }
0x23: {  	s9 =	sor.u32 $0xD0000000, s2;
	s6 =	simm.s32 $0x108;
	_ =	swait.ge @!p0 [sflag:s8], $0x0  }
0x24: {  	s3 =	sadd.s32 $0x88, s3;
	s6 =	simm.s32 @!p1 $0x1082;
	[sflag:s4] =	ssyncset.s32 $0xFFFFF086  }
0x25: {  	[simem:s6], [sflag:s4] =	dma.local [hbm:s3], $0xF7A  }
0x26: {  	[smem:$0x3F9B] =	sst s1;
	(tag) =	ssettag s2;
	_ =	strace s9  }
0x27: {  	s1 =	sld [smem:$0x3FAB]  }
0x28: {  	s2 =	sld [smem:$0x3FAC]  }
0x29: {  	s4 =	sld [smem:$0x3FAE]  }
0x2a: {  	p0 =	seq.s32 s5, $0x0;
	s5 =	sld [smem:$0x3FAF]  }
0x2b: {  	s6 =	sld [smem:$0x3FB0]  }
0x2c: {  	s7 =	sld [smem:$0x3FB1]  }
0x2d: {  	s3 =	simm.s32 $0x108;
	s8 =	sld [smem:$0x3FB2]  }
0x2e: {  	s3 =	simm.s32 @!p0 $0x1082;
	s9 =	sld [smem:$0x3FB3]  }
0x2f: {  	lr =	sadd.s32 s0, s3;
	s0 =	sld [smem:$0x3FAA]  }
0x30: {  	s3 =	sld [smem:$0x3FAD]  }
0x31: {  	[smem:$0x3FB6] =	sst s10  }
0x32: {  	s10 =	sld [smem:$0x3FB4];
	_ =	sdelay $0x3  }
0x33: {  	p0 =	seq.s32 s10, $0x1;
	s10 =	sld [smem:$0x3FB6];
	_ =	sdelay $0x3  }
0x34: {  	[smem:$0x3FB6] =	sst s10  }
0x35: {  	s10 =	sld [smem:$0x3FB5];
	_ =	sdelay $0x3  }
0x36: {  	p1 =	seq.s32 s10, $0x1;
	s10 =	sld [smem:$0x3FB6];
	_ =	sdelay $0x3  }
0x37: {  	[smem:$0x3FB6] =	sst s10  }
0x38: {  	s10 =	sld [smem:$0x3FB7]  }
0x39: {  	_ = 	snop;
	(pc) =	sbr.ind lr, $3  }
0x3a: {  	_ = 	snop  }
0x3b: {  	_ = 	snop  }
0x3c: {  	p2 =	seq.s32 s10, $0x1;
	s10 =	sld [smem:$0x3FB6]  }
0x3d: {  	_ =	shalt  }
0x3e: {  	_ =	shalt  }
0x3f: {  	_ =	shalt  }
0x40: {  	_ =	shalt  }
0x41: {  	_ =	shalt  }
0x42: {  	_ =	shalt  }
0x43: {  	_ =	shalt  }
0x44: {  	_ =	shalt  }
0x45: {  	_ =	shalt  }
0x46: {  	_ =	shalt  }
0x47: {  	_ =	shalt  }
0x48: {  	_ =	shalt  }
0x49: {  	_ =	shalt  }
0x4a: {  	_ =	shalt  }
0x4b: {  	_ =	shalt  }
0x4c: {  	_ =	shalt  }
0x4d: {  	_ =	shalt  }
0x4e: {  	_ =	shalt  }
0x4f: {  	_ =	shalt  }
0x50: {  	_ =	shalt  }
0x51: {  	_ =	shalt  }
0x52: {  	_ =	shalt  }
0x53: {  	_ =	shalt  }
0x54: {  	_ =	shalt  }
0x55: {  	_ =	shalt  }
0x56: {  	_ =	shalt  }
0x57: {  	_ =	shalt  }
0x58: {  	_ =	shalt  }
0x59: {  	_ =	shalt  }
0x5a: {  	_ =	shalt  }
0x5b: {  	_ =	shalt  }
0x5c: {  	_ =	shalt  }
0x5d: {  	_ =	shalt  }
0x5e: {  	_ =	shalt  }
0x5f: {  	_ =	shalt  }
0x60: {  	_ =	shalt  }
0x61: {  	_ =	shalt  }
0x62: {  	_ =	shalt  }
0x63: {  	_ =	shalt  }
0x64: {  	_ =	shalt  }
0x65: {  	_ =	shalt  }
0x66: {  	_ =	shalt  }
0x67: {  	_ =	shalt  }
0x68: {  	_ =	shalt  }
0x69: {  	_ =	shalt  }
0x6a: {  	_ =	shalt  }
0x6b: {  	_ =	shalt  }
0x6c: {  	_ =	shalt  }
0x6d: {  	_ =	shalt  }
0x6e: {  	_ =	shalt  }
0x6f: {  	_ =	shalt  }
0x70: {  	_ =	shalt  }
0x71: {  	_ =	shalt  }
0x72: {  	_ =	shalt  }
0x73: {  	_ =	shalt  }
0x74: {  	_ =	shalt  }
0x75: {  	_ =	shalt  }
0x76: {  	_ =	shalt  }
0x77: {  	_ =	shalt  }
0x78: {  	_ =	shalt  }
0x79: {  	_ =	shalt  }
0x7a: {  	_ =	shalt  }
0x7b: {  	_ =	shalt  }
0x7c: {  	_ =	shalt  }
0x7d: {  	_ =	shalt  }
0x7e: {  	_ =	shalt  }
0x7f: {  	_ =	shalt  }
0x80: {  	_ =	shalt  }
0x81: {  	_ =	shalt  }
0x82: {  	_ =	shalt  }
0x83: {  	_ =	shalt  }
0x84: {  	_ =	shalt  }
0x85: {  	_ =	shalt  }
0x86: {  	_ =	shalt  }
0x87: {  	_ =	shalt  }
.Lfunc_end0:
.L_simem_size_0:
called_computation_lowered:
.L_overlay_start_0:
0x88: {  	s2 =	sld [smem:$0x3FD9]  }
0x89: {  	s3 =	sld [smem:$0x3FFE];
	_ =	sdelay $0x1  }
0x8a: {  	s1 =	srdreg.scid  }
0x8b: {  	s0 =	sand.u32 $0x1, s1  }
0x8c: {  	s14 =	sshll.u32 s0, $0xA;
	s2 =	sadd.s32 s3, s2  }
0x8d: {  	s2 =	sadd.s32 s2, s14  }
0x8e: {  	[smem:$0x3FC2] =	sst s2  }
0x8f: {  	_ = 	snop  }
0x90: {  	s2 =	sld [smem:$0x3FD0];
	_ =	sdelay $0x2  }
0x91: {  	s15 =	simm.s32 $0xA;
	s4 =	simm.s32 $0x10  }
0x92: {  	[smem:s4], [sflag:s15] =	dma.local [hbm:s2], $0x1  }
0x93: {  	_ =	swait.eq [sflag:s15], $0x1  }
0x94: {  	[sflag:s15] =	ssyncset.done $0x0  }
0x95: {  	[sflag:s15] =	ssyncadd.s32 $0xFFFFFFFF  }
0x96: {  	s16 =	sld [smem:$0x11];
	(tm) =	ssettm $0x1  }
0x97: {  	s17 =	sld [smem:$0x3FFB];
	_ =	sdelay $0x3  }
0x98: {  	_ =	strace s17  }
0x99: {  	s3 =	sld [smem:$0x3FFC];
	_ =	sdelay $0x3  }
0x9a: {  	_ =	strace s3  }
0x9b: {  	s3 =	sld [smem:$0x3FFD];
	_ =	sdelay $0x3  }
0x9c: {  	_ =	strace s3  }
0x9d: {  	_ =	strace $0x8FFFFFFF  }
0x9e: {  	s18 =	sld [smem:$0x3FDB];
	_ =	sdelay $0x1  }
0x9f: {  	s19 =	simm.s32 $_scs_section_size  }
0xa0: {  	s5 =	simm.s32 $_size__tile_overlayer_lowered;
	s6 =	simm.s32 $_tile_overlayer_lowered  }
0xa1: {  	s22 =	simm.s32 $0x1BFF;
	s21 =	sshll.u32 s6, $0x1;
	s3 =	sadd.s32 s19, s18  }
0xa2: {  	s7 =	simm.s32 $0x0;
	s20 =	sshll.u32 s5, $0x1;
	s5 =	sadd.s32 s21, s3  }
0xa3: {  	[timem:s7], [sflag:s22] =	dma.local [hbm:s5], s20  }
0xa4: {  	_ =	swait.ge [sflag:s22], s20  }
0xa5: {  	s4 =	ssub.s32 $0x0, s20;
	[sflag:s22] =	ssyncset.done $0x0  }
0xa6: {  	[sflag:s22] =	ssyncadd.s32 s4;
	_ =	sdelay $0x1  }
0xa7: {  	s23 =	simm.s32 $0x1B8B  }
0xa8: {  	_ =	swait.ge [sflag:s23], $0x1  }
0xa9: {  	[sflag:s23] =	ssyncset.done $0x0  }
0xaa: {  	s25 =	simm.s32 $0x1B8E;
	s24 =	sld [smem:$0x3FFE];
	[sflag:s23] =	ssyncadd.s32 $0xFFFFFFFF  }
0xab: {  	s26 =	simm.s32 $execute0_lowered;
	[smem:$0x3FD2] =	sst s25  }
0xac: {  	s5 =	sshll.u32 s26, $0x1;
	_ =	strace $0x80000046;
	[dreg:$0x1] =	wrdreg $0xFFFFFFFF  }
0xad: {  	s28 =	simm.s32 $_size_execute0_lowered;
	s3 =	sadd.s32 s3, s5;
	[dreg:$0x0] =	wrdreg $0x0  }
0xae: {  	s5 =	sshll.u32 s28, $0x1;
	[dreg:$0x2] =	wrdreg s3  }
0xaf: {  	[dreg:$0x3] =	wrdreg s5  }
0xb0: {  	[dreg:$0x4] =	wrdreg $0xC0  }
0xb1: {  	_ =	task [dreg:s7], $0x5FFFF  }
0xb2: {  	[dreg:$0x1] =	wrdreg $0xFFFFFFFF  }
0xb3: {  	[dreg:$0x0] =	wrdreg $0x60  }
0xb4: {  	[dreg:$0x2] =	wrdreg s24  }
0xb5: {  	[dreg:$0x3] =	wrdreg s16  }
0xb6: {  	[dreg:$0x4] =	wrdreg $0x32800  }
0xb7: {  	[dreg:$0x5] =	wrdreg $0x9  }
0xb8: {  	_ =	task.clear_ibuf [dreg:s7], $0x6FFFF;
	_ =	strace $0x90000046  }
0xb9: {  	s29 =	simm.s32 $0x9;
	_ =	strace $0x80000048  }
0xba: {  	_ =	swait.ge [sflag:s29], $0x1  }
0xbb: {  	[sflag:s29] =	ssyncadd.s32 $0xFFFFFFFF  }
0xbc: {  	_ =	strace $0x90000048  }
0xbd: {  	_ =	sfence  }
0xbe: {  	s30 =	sld [smem:$0x0];
	_ =	sdelay $0x2  }
0xbf: {  	s31 =	sshll.u32 s1, $0xD;
	s1 =	sshrl.u32 s1, $0x2  }
0xc0: {  	s3 =	sand.u32 $0x4000, s31;
	s1 =	sadd.s32 s1, s30  }
0xc1: {  	s0 =	sor.u32 s3, s0;
	s1 =	sshll.u32 s1, $0x11  }
0xc2: {  	s0 =	sor.u32 s1, s0  }
0xc3: {  	s0 =	sadd.s32 $0x8F2B, s0  }
0xc4: {  	[sflag:s0] =	ssyncadd.remote.s32 $0x1  }
0xc5: {  	_ =	sfence.sel $0xFFFF  }
0xc6: {  	[dreg:$0x0] =	wrdreg $0xFFFFFFFF;
	(pc) =	sbr.abs _section_cstart, $3  }
0xc7: {  	[dreg:$0x1] =	wrdreg $0xFFFFFFFF  }
0xc8: {  	_ =	task.clear_ibuf [dreg:s7], $0x2FFFF;
	_ =	strace $0x9FFFFFFF  }
0xc9: {  	(tm) =	ssettm $0x7FFFFFFF  }
tec
execute0_lowered:
.L_overlay_start_1:
0x0: {  	(tag) =	ssettag $0x1  }
0x1: {  	s0 =	rddreg [dreg:$0x0]  }
0x2: {  	s7 =	rddreg [dreg:$0x1];
	s2 =	srdreg.scid  }
0x3: {  	s13 =	stileid.u32;
	s1 =	rddreg [dreg:$0x2];
	s15 =	simm.s32 $0x2A00  }
0x4: {  	s28 =	simm.s32 $0x2380;
	s29 =	simm.s32 $0x2400;
	s30 =	simm.s32 $0x2480  }
0x5: {  	s31 =	simm.s32 $0x2500;
	s16 =	simm.s32 $0x2680;
	s17 =	simm.s32 $0x2700  }
0x6: {  	s18 =	simm.s32 $0x2780;
	s19 =	simm.s32 $0x2800;
	s20 =	simm.s32 $0x2880  }
0x7: {  	s21 =	simm.s32 $0x2900;
	s22 =	simm.s32 $0x2980;
	s23 =	simm.s32 $0x1  }
0x8: {  	s4 =	sand.u32 $0x1, s2;
	s3 =	sshll.u32 s13, $0x1;
	s2 =	simm.s32 $0x0  }
0x9: {  	s11 =	sadd.s32 $0x1770, s1;
	s12 =	sadd.s32 $0x1F40, s1;
	p3 =	sne.s32 s13, $0xF  }
0xa: {  	s14 =	sor.u32 s4, s3;
	[smem:$0x7FF] =	sst s2;
	s10 =	smul.u32 $0x530, s4  }
0xb: {  	s5 =	ssub.s32 $0x2, s4;
	s4 =	sadd.s32 $0x6820, s0;
	s3 =	smul.u32 $0x2A0, s14  }
0xc: {  	_ =	strace $0x80000047;
	s6 =	smul.u32 $0x1500, s14;
	s9 =	sshrl.u32 s5, $0x1  }
0xd: {  	p1 =	sgt.u32 s14, $0x1C;
	s9 =	ssub.s32 s5, s9;
	s7 =	sadd.s32 s7, s10  }
0xe: {  	s10 =	sadd.s32 $0xFA0, s1;
	p0 =	sne.s32 @p1 s14, $0x1D;
	s14 =	simm.s32 $0x2600  }
0xf: {  	s8 =	sadd.s32 s3, s0;
	s3 =	sadd.s32 $0x1600, s0;
	s6 =	sadd.s32 $0xFFFD8F00, s6  }
0x10: {  	p2 =	por p0, !p1;
	p0 =	sne.s32 s13, $0x0;
	s13 =	simm.s32 $0x80  }
0x11: {  	s0 =	simm.s32 $0x2580;
	s5 =	sadd.s32 $0x1C00, s8;
	s26 =	sshrl.u32 s6, $0x3  }
0x12: {  	v0 =	vimm.f32 $1.000000000e+00;
	v1 =	vimm.f32 $0.0e+00;
	s8 =	smax.u32 s9, $0x1;
	s9 =	sadd.s32 $0x7D0, s1;
	s6 =	sadd.s32 s3, s26  }
.LBB2_1:
0x13: {  	s24 =	simm.s32 @!p2 $0x0;
	s25 =	simm.s32 @!p2 $0x3  }
0x14: {  	[tilespmem:s24], [sflag:$0x3] =	stream.linear.gather @!p2 [hbm4b:s4+s24], $0x1000, $0x38;
	[tilespmem:$0x3518] =	vst v63  }
0x15: {  	_ =	swait.ge @!p2 [sflag:s25], $0x1000  }
0x16: {  	[sflag:s25] =	ssyncset.done @!p2 $0x0  }
0x17: {  	s26 =	simm.s32 @!p2 $0x1000;
	[sflag:s25] =	ssyncadd.s32 @!p2 $0xFFFFF000  }
0x18: {  	[tilespmem:s26], [sflag:$0x3] =	stream.linear.gather @!p2 [hbm4b:s3+s24], $0x500, $0x38;
	[tilespmem:$0x3518] =	vst v63  }
0x19: {  	_ =	swait.ge @!p2 [sflag:s25], $0x500  }
0x1a: {  	[sflag:s25] =	ssyncset.done @!p2 $0x0  }
0x1b: {  	s24 =	simm.s32 @!p1 $0x0;
	[sflag:s25] =	ssyncadd.s32 @!p2 $0xFFFFFB00  }
0x1c: {  	[tilespmem:s24], [sflag:$0x3] =	stream.linear.gather @!p1 [hbm4b:s5+s24], $0x1500, $0x38;
	[tilespmem:$0x3518] =	vst v63  }
0x1d: {  	s24 =	simm.s32 @!p1 $0x3  }
0x1e: {  	_ =	swait.ge @!p1 [sflag:s24], $0x1500  }
0x1f: {  	[sflag:s24] =	ssyncset.done @!p1 $0x0  }
0x20: {  	[sflag:s24] =	ssyncadd.s32 @!p1 $0xFFFFEB00;
	s24 =	simm.s32 @!p3 $0x0  }
0x21: {  	[tilespmem:s24], [sflag:$0x3] =	stream.linear.gather @!p3 [hbm4b:s6+s24], $0x1500, $0x38;
	[tilespmem:$0x3518] =	vst v63  }
0x22: {  	s24 =	simm.s32 @!p3 $0x3  }
0x23: {  	_ =	swait.ge @!p3 [sflag:s24], $0x1500  }
0x24: {  	[sflag:s24] =	ssyncset.done @!p3 $0x0  }
0x25: {  	[sflag:s24] =	ssyncadd.s32 @!p3 $0xFFFFEB00;
	s24 =	simm.s32 $0x0  }
0x26: {  	s25 =	simm.s32 $0x40;
	v2 =	vld [tilespmem:s24+$0x0]  }
.LBB2_2:
0x27: {  	p4 =	sne.s32 s25, $0x53C0  }
.Ltmp0:
0x28: {  	_ = 	snop;
	(pc) =	sbr.rel @p4 .LBB2_2-.Ltmp0, $3  }
0x29: {  	_ =	sdelay $0x1  }
0x2a: {  	s26 =	sshra.s32 s25, $0x2;
	s25 =	sadd.s32 $0x40, s25;
	v3 =	vshrl.u32 v2, $0xE  }
0x2b: {  	v2 =	vld [tilespmem:s26+$0x0];
	[tilespmem:s24+$0x1500] =	vst v3;
	s24 =	smov.u32 s26  }
0x2c: {  	_ =	sdelay $0x3  }
0x2d: {  	v2 =	vshrl.u32 v2, $0xE  }
0x2e: {  	[tilespmem:s24+$0x1500] =	vst v2  }
0x2f: {  	[tilespmem:$0x2A00] =	vst v0  }
0x30: {  	[tilespmem:$0x2A10] =	vst v0  }
0x31: {  	[tilespmem:$0x2A20] =	vst v0  }
0x32: {  	[tilespmem:$0x2A30] =	vst v0  }
0x33: {  	[tilespmem:$0x2A40] =	vst v0  }
0x34: {  	[tilespmem:$0x2A50] =	vst v0  }
0x35: {  	[tilespmem:$0x2A60] =	vst v0  }
0x36: {  	s25 =	simm.s32 $0x0;
	s24 =	simm.s32 $0x40;
	[tilespmem:$0x2A70] =	vst v0  }
.LBB2_4:
0x37: {  	p4 =	sne.s32 s24, $0x1F00;
	[tilespmem:s25+$0x2A80] =	vst v1;
	s25 =	smov.u32 s24;
	s24 =	sadd.s32 $0x40, s24  }
.Ltmp1:
0x38: {  	(pc) =	sbr.rel @p4 .LBB2_4-.Ltmp1, $2  }
0x39: {  	_ =	sdelay $0x2  }
0x3a: {  	s25 =	sshra.s32 s25, $0x2  }
0x3b: {  	[tilespmem:s25+$0x2A80] =	vst v1;
	s24 =	simm.s32 @!p0 $0x2A80  }
0x3c: {  	[spmem:s1] =	stream.linear.scatter @!p0 [tilespmem:s24], [sflag:$0x2], $0x7D0, $0x38;
	[tilespmem:$0x3518] =	vst v63  }
0x3d: {  	_ = 	snop  }
0x3e: {  	[spmem:s9] =	stream.linear.scatter @!p0 [tilespmem:s24], [sflag:$0x2], $0x7D0, $0x38;
	[tilespmem:$0x3518] =	vst v63  }
0x3f: {  	_ = 	snop  }
0x40: {  	[spmem:s10] =	stream.linear.scatter @!p0 [tilespmem:s24], [sflag:$0x2], $0x7D0, $0x38;
	[tilespmem:$0x3518] =	vst v63  }
0x41: {  	_ = 	snop  }
0x42: {  	[spmem:s11] =	stream.linear.scatter @!p0 [tilespmem:s24], [sflag:$0x2], $0x7D0, $0x38;
	[tilespmem:$0x3518] =	vst v63  }
0x43: {  	_ = 	snop  }
0x44: {  	[spmem:s12] =	stream.linear.scatter @!p0 [tilespmem:s24], [sflag:$0x2], $0x7D0, $0x38;
	[tilespmem:$0x3518] =	vst v63  }
0x45: {  	s24 =	simm.s32 @!p0 $0x2  }
0x46: {  	_ =	swait.ge @!p0 [sflag:s24], $0x7D0  }
0x47: {  	[sflag:s24] =	ssyncset.done @!p0 $0x0  }
0x48: {  	[sflag:s24] =	ssyncadd.s32 @!p0 $0xFFFFF830  }
0x49: {  	_ =	swait.ge @!p0 [sflag:s24], $0x7D0  }
0x4a: {  	[sflag:s24] =	ssyncset.done @!p0 $0x0  }
0x4b: {  	[sflag:s24] =	ssyncadd.s32 @!p0 $0xFFFFF830  }
0x4c: {  	_ =	swait.ge @!p0 [sflag:s24], $0x7D0  }
0x4d: {  	[sflag:s24] =	ssyncset.done @!p0 $0x0  }
0x4e: {  	[sflag:s24] =	ssyncadd.s32 @!p0 $0xFFFFF830  }
0x4f: {  	_ =	swait.ge @!p0 [sflag:s24], $0x7D0  }
0x50: {  	[sflag:s24] =	ssyncset.done @!p0 $0x0  }
0x51: {  	[sflag:s24] =	ssyncadd.s32 @!p0 $0xFFFFF830  }
0x52: {  	_ =	swait.ge @!p0 [sflag:s24], $0x7D0  }
0x53: {  	[sflag:s24] =	ssyncset.done @!p0 $0x0  }
0x54: {  	[sflag:s24] =	ssyncadd.s32 @!p0 $0xFFFFF830  }
0x55: {  	s26 =	simm.s32 $0x1500;
	[bflag:$0x0] =	sbarrier.arrive $0xFFFF  }
0x56: {  	[spmem:s1] =	stream.indirect.scatter.add.f32 [tilespmem:s15], [sflag:$0x1], $0x1, s26, s13, $0xb8;
	[tilespmem:$0x3518] =	vst v63  }
0x57: {  	s25 =	simm.s32 $0x1580  }
0x58: {  	[spmem:s1] =	stream.indirect.scatter.add.f32 [tilespmem:s15], [sflag:$0x1], $0x1, s25, s13, $0xb8;
	[tilespmem:$0x3518] =	vst v63  }
0x59: {  	s26 =	simm.s32 $0x1600  }
0x5a: {  	[spmem:s1] =	stream.indirect.scatter.add.f32 [tilespmem:s15], [sflag:$0x1], $0x1, s26, s13, $0xb8;
	[tilespmem:$0x3518] =	vst v63  }
0x5b: {  	s25 =	simm.s32 $0x1680  }
0x5c: {  	[spmem:s1] =	stream.indirect.scatter.add.f32 [tilespmem:s15], [sflag:$0x1], $0x1, s25, s13, $0xb8;
	[tilespmem:$0x3518] =	vst v63  }
0x5d: {  	s26 =	simm.s32 $0x1700  }
0x5e: {  	[spmem:s1] =	stream.indirect.scatter.add.f32 [tilespmem:s15], [sflag:$0x1], $0x1, s26, s13, $0xb8;
	[tilespmem:$0x3518] =	vst v63  }
0x5f: {  	s25 =	simm.s32 $0x1780  }
0x60: {  	[spmem:s1] =	stream.indirect.scatter.add.f32 [tilespmem:s15], [sflag:$0x1], $0x1, s25, s13, $0xb8;
	[tilespmem:$0x3518] =	vst v63  }
0x61: {  	s26 =	simm.s32 $0x1800  }
0x62: {  	[spmem:s1] =	stream.indirect.scatter.add.f32 [tilespmem:s15], [sflag:$0x1], $0x1, s26, s13, $0xb8;
	[tilespmem:$0x3518] =	vst v63  }
0x63: {  	s25 =	simm.s32 $0x1880  }
0x64: {  	[spmem:s1] =	stream.indirect.scatter.add.f32 [tilespmem:s15], [sflag:$0x1], $0x1, s25, s13, $0xb8;
	[tilespmem:$0x3518] =	vst v63  }
0x65: {  	s26 =	simm.s32 $0x1900  }
0x66: {  	[spmem:s1] =	stream.indirect.scatter.add.f32 [tilespmem:s15], [sflag:$0x1], $0x1, s26, s13, $0xb8;
	[tilespmem:$0x3518] =	vst v63  }
0x67: {  	s25 =	simm.s32 $0x1980  }
0x68: {  	[spmem:s1] =	stream.indirect.scatter.add.f32 [tilespmem:s15], [sflag:$0x1], $0x1, s25, s13, $0xb8;
	[tilespmem:$0x3518] =	vst v63  }
0x69: {  	s26 =	simm.s32 $0x1A00  }
0x6a: {  	[spmem:s1] =	stream.indirect.scatter.add.f32 [tilespmem:s15], [sflag:$0x1], $0x1, s26, s13, $0xb8;
	[tilespmem:$0x3518] =	vst v63  }
0x6b: {  	s25 =	simm.s32 $0x1A80  }
0x6c: {  	[spmem:s1] =	stream.indirect.scatter.add.f32 [tilespmem:s15], [sflag:$0x1], $0x1, s25, s13, $0xb8;
	[tilespmem:$0x3518] =	vst v63  }
0x6d: {  	s26 =	simm.s32 $0x1B00  }
0x6e: {  	[spmem:s1] =	stream.indirect.scatter.add.f32 [tilespmem:s15], [sflag:$0x1], $0x1, s26, s13, $0xb8;
	[tilespmem:$0x3518] =	vst v63  }
0x6f: {  	s25 =	simm.s32 $0x1B80  }
0x70: {  	[spmem:s1] =	stream.indirect.scatter.add.f32 [tilespmem:s15], [sflag:$0x1], $0x1, s25, s13, $0xb8;
	[tilespmem:$0x3518] =	vst v63  }
0x71: {  	s26 =	simm.s32 $0x1C00  }
0x72: {  	[spmem:s1] =	stream.indirect.scatter.add.f32 [tilespmem:s15], [sflag:$0x1], $0x1, s26, s13, $0xb8;
	[tilespmem:$0x3518] =	vst v63  }
0x73: {  	s25 =	simm.s32 $0x1C80  }
0x74: {  	[spmem:s1] =	stream.indirect.scatter.add.f32 [tilespmem:s15], [sflag:$0x1], $0x1, s25, s13, $0xb8;
	[tilespmem:$0x3518] =	vst v63  }
0x75: {  	s26 =	simm.s32 $0x1D00  }
0x76: {  	[spmem:s1] =	stream.indirect.scatter.add.f32 [tilespmem:s15], [sflag:$0x1], $0x1, s26, s13, $0xb8;
	[tilespmem:$0x3518] =	vst v63  }
0x77: {  	s25 =	simm.s32 $0x1D80  }
0x78: {  	[spmem:s1] =	stream.indirect.scatter.add.f32 [tilespmem:s15], [sflag:$0x1], $0x1, s25, s13, $0xb8;
	[tilespmem:$0x3518] =	vst v63  }
0x79: {  	s26 =	simm.s32 $0x1E00  }
0x7a: {  	[spmem:s1] =	stream.indirect.scatter.add.f32 [tilespmem:s15], [sflag:$0x1], $0x1, s26, s13, $0xb8;
	[tilespmem:$0x3518] =	vst v63  }
0x7b: {  	s25 =	simm.s32 $0x1E80  }
0x7c: {  	[spmem:s1] =	stream.indirect.scatter.add.f32 [tilespmem:s15], [sflag:$0x1], $0x1, s25, s13, $0xb8;
	[tilespmem:$0x3518] =	vst v63  }
0x7d: {  	s26 =	simm.s32 $0x1F00  }
0x7e: {  	[spmem:s1] =	stream.indirect.scatter.add.f32 [tilespmem:s15], [sflag:$0x1], $0x1, s26, s13, $0xb8;
	[tilespmem:$0x3518] =	vst v63  }
0x7f: {  	s25 =	simm.s32 $0x1F80  }
0x80: {  	[spmem:s1] =	stream.indirect.scatter.add.f32 [tilespmem:s15], [sflag:$0x1], $0x1, s25, s13, $0xb8;
	[tilespmem:$0x3518] =	vst v63  }
0x81: {  	s26 =	simm.s32 $0x2000  }
0x82: {  	[spmem:s1] =	stream.indirect.scatter.add.f32 [tilespmem:s15], [sflag:$0x1], $0x1, s26, s13, $0xb8;
	[tilespmem:$0x3518] =	vst v63  }
0x83: {  	s25 =	simm.s32 $0x2080  }
0x84: {  	[spmem:s1] =	stream.indirect.scatter.add.f32 [tilespmem:s15], [sflag:$0x1], $0x1, s25, s13, $0xb8;
	[tilespmem:$0x3518] =	vst v63  }
0x85: {  	s26 =	simm.s32 $0x2100  }
0x86: {  	[spmem:s1] =	stream.indirect.scatter.add.f32 [tilespmem:s15], [sflag:$0x1], $0x1, s26, s13, $0xb8;
	[tilespmem:$0x3518] =	vst v63  }
0x87: {  	s25 =	simm.s32 $0x2180  }
0x88: {  	[spmem:s1] =	stream.indirect.scatter.add.f32 [tilespmem:s15], [sflag:$0x1], $0x1, s25, s13, $0xb8;
	[tilespmem:$0x3518] =	vst v63  }
0x89: {  	s26 =	simm.s32 $0x2200  }
0x8a: {  	[spmem:s1] =	stream.indirect.scatter.add.f32 [tilespmem:s15], [sflag:$0x1], $0x1, s26, s13, $0xb8;
	[tilespmem:$0x3518] =	vst v63  }
0x8b: {  	s25 =	simm.s32 $0x2280  }
0x8c: {  	[spmem:s1] =	stream.indirect.scatter.add.f32 [tilespmem:s15], [sflag:$0x1], $0x1, s25, s13, $0xb8;
	[tilespmem:$0x3518] =	vst v63  }
0x8d: {  	s26 =	simm.s32 $0x2300  }
0x8e: {  	[spmem:s1] =	stream.indirect.scatter.add.f32 [tilespmem:s15], [sflag:$0x1], $0x1, s26, s13, $0xb8;
	[tilespmem:$0x3518] =	vst v63  }
0x8f: {  	_ = 	snop  }
0x90: {  	[spmem:s1] =	stream.indirect.scatter.add.f32 [tilespmem:s15], [sflag:$0x1], $0x1, s28, s13, $0xb8;
	[tilespmem:$0x3518] =	vst v63  }
0x91: {  	_ = 	snop  }
0x92: {  	[spmem:s1] =	stream.indirect.scatter.add.f32 [tilespmem:s15], [sflag:$0x1], $0x1, s29, s13, $0xb8;
	[tilespmem:$0x3518] =	vst v63  }
0x93: {  	_ = 	snop  }
0x94: {  	[spmem:s1] =	stream.indirect.scatter.add.f32 [tilespmem:s15], [sflag:$0x1], $0x1, s30, s13, $0xb8;
	[tilespmem:$0x3518] =	vst v63  }
0x95: {  	_ = 	snop  }
0x96: {  	[spmem:s1] =	stream.indirect.scatter.add.f32 [tilespmem:s15], [sflag:$0x1], $0x1, s31, s13, $0xb8;
	[tilespmem:$0x3518] =	vst v63  }
0x97: {  	_ = 	snop  }
0x98: {  	[spmem:s1] =	stream.indirect.scatter.add.f32 [tilespmem:s15], [sflag:$0x1], $0x1, s0, s13, $0xb8;
	[tilespmem:$0x3518] =	vst v63  }
0x99: {  	_ = 	snop  }
0x9a: {  	[spmem:s1] =	stream.indirect.scatter.add.f32 [tilespmem:s15], [sflag:$0x1], $0x1, s14, s13, $0xb8;
	[tilespmem:$0x3518] =	vst v63  }
0x9b: {  	_ = 	snop  }
0x9c: {  	[spmem:s1] =	stream.indirect.scatter.add.f32 [tilespmem:s15], [sflag:$0x1], $0x1, s16, s13, $0xb8;
	[tilespmem:$0x3518] =	vst v63  }
0x9d: {  	_ = 	snop  }
0x9e: {  	[spmem:s1] =	stream.indirect.scatter.add.f32 [tilespmem:s15], [sflag:$0x1], $0x1, s17, s13, $0xb8;
	[tilespmem:$0x3518] =	vst v63  }
0x9f: {  	_ = 	snop  }
0xa0: {  	[spmem:s1] =	stream.indirect.scatter.add.f32 [tilespmem:s15], [sflag:$0x1], $0x1, s18, s13, $0xb8;
	[tilespmem:$0x3518] =	vst v63  }
0xa1: {  	_ = 	snop  }
0xa2: {  	[spmem:s1] =	stream.indirect.scatter.add.f32 [tilespmem:s15], [sflag:$0x1], $0x1, s19, s13, $0xb8;
	[tilespmem:$0x3518] =	vst v63  }
0xa3: {  	_ = 	snop  }
0xa4: {  	[spmem:s1] =	stream.indirect.scatter.add.f32 [tilespmem:s15], [sflag:$0x1], $0x1, s20, s13, $0xb8;
	[tilespmem:$0x3518] =	vst v63  }
0xa5: {  	_ = 	snop  }
0xa6: {  	[spmem:s1] =	stream.indirect.scatter.add.f32 [tilespmem:s15], [sflag:$0x1], $0x1, s21, s13, $0xb8;
	[tilespmem:$0x3518] =	vst v63  }
0xa7: {  	_ = 	snop  }
0xa8: {  	[spmem:s1] =	stream.indirect.scatter.add.f32 [tilespmem:s15], [sflag:$0x1], $0x1, s22, s13, $0xb8;
	[tilespmem:$0x3518] =	vst v63  }
0xa9: {  	_ =	swait.ge [sflag:s23], $0x80  }
0xaa: {  	s24 =	simm.s32 $0x29;
	[sflag:s23] =	ssyncset.done $0x0  }
.LBB2_6:
0xab: {  	p4 =	sne.s32 s24, $0x1;
	s24 =	sadd.s32 $0xFFFFFFFF, s24;
	[sflag:s23] =	ssyncadd.s32 $0xFFFFFF80  }
.Ltmp2:
0xac: {  	(pc) =	sbr.rel @p4 .LBB2_6-.Ltmp2, $3  }
0xad: {  	_ =	sdelay $0x1  }
0xae: {  	_ =	swait.ge [sflag:s23], $0x80  }
0xaf: {  	[sflag:s23] =	ssyncset.done $0x0  }
0xb0: {  	[sflag:s23] =	ssyncadd.s32 $0xFFFFFF80;
	s24 =	sshrl.u32 @!p0 s1, $0x3;
	s2 =	sadd.s32 $0x1, s2  }
0xb1: {  	s25 =	simm.s32 @!p0 $0x1C03;
	[bflag:$0x0] =	sbarrier.arrive $0xFFFF;
	p4 =	sne.s32 s2, s8  }
0xb2: {  	[hbm:s7], [sflag:s25] =	dma.local @!p0 [spmem:s24], $0x530  }
.Ltmp3:
0xb3: {  	_ = 	snop;
	(pc) =	sbr.rel @p4 .LBB2_1-.Ltmp3, $4  }
0xb4: {  	s24 =	simm.s32 @!p0 $0x3  }
0xb5: {  	_ =	swait.ge @!p0 [sflag:s24], $0x530  }
0xb6: {  	[sflag:s24] =	ssyncset.done @!p0 $0x0  }
0xb7: {  	[sflag:s24] =	ssyncadd.s32 @!p0 $0xFFFFFAD0  }
0xb8: {  	_ =	sfence.sel $0x180000  }
0xb9: {  	[bflag:$0x0] =	sbarrier.arrive $0xFFFF  }
0xba: {  	_ =	strace $0x90000047  }
0xbb: {  	[bflag:$0x2] =	sbarrier.arrive $0xFFFF  }
0xbc: {  	s0 =	rddreg [dreg:$0x3]  }
0xbd: {  	s0 =	sadd.s32 @!p0 $0x100000, s0  }
0xbe: {  	[sflag:s0] =	ssyncadd.tile.s32 @!p0 $0x1;
	_ =	shalt  }
.Lfunc_end2:
_tile_overlayer_lowered:
.L_overlay_start_2:
0xbf: {  	(tag) =	ssettag $0x2  }
0xc0: {  	s0 =	rddreg [dreg:$0x0];
	s2 =	stileid.u32  }
0xc1: {  	s1 =	rddreg [dreg:$0x1];
	p0 =	sne.s32 s2, $0x0  }
0xc2: {  	s3 =	rddreg [dreg:$0x2];
	[bflag:$0x3] =	sbarrier.arrive $0xFFFF;
	s2 =	simm.s32 @!p0 $0x1C03  }
0xc3: {  	[timem:s3], [sflag:s2] =	dma.local @!p0 [hbm:s0], s1  }
0xc4: {  	s0 =	simm.s32 @!p0 $0x3  }
0xc5: {  	_ =	swait.ge @!p0 [sflag:s0], s1  }
0xc6: {  	s1 =	ssub.s32 @!p0 $0x0, s1;
	[sflag:s0] =	ssyncset.done @!p0 $0x0  }
0xc7: {  	[sflag:s0] =	ssyncadd.s32 @!p0 s1  }
0xc8: {  	[bflag:$0x3] =	sbarrier.arrive $0xFFFF  }
0xc9: {  	_ =	shalt  }

</sc_bundles>
